<compile_context>
chip_gen: v7x
topology: tpu7x:2x2x1
jax: 0.10.2.dev20260603
libtpu: 0.0.44.dev20260713+nightly
codegen_flags: <defaults>
</compile_context>

<pallas_src>
import functools

import jax
import jax.numpy as jnp
from jax import lax
from jax.experimental import pallas as pl
from jax.experimental.pallas import tpu as pltpu
from jax.experimental.pallas import tpu_sc as plsc

_B, _T, _D, _K, _S = 4, 2048, 1024, 64, 8
_TT = 2048

_NC = 2


def _router_body(x_ref, mu_ref, idx_ref, s_acc):
    b = pl.program_id(0)
    t = pl.program_id(1)
    nt = pl.num_programs(1)

    @pl.when((b == 0) & (t == 0))
    def _init():
        s_acc[...] = jnp.zeros_like(s_acc)

    x = x_ref[0]
    mu = mu_ref[...]
    dot = jax.lax.dot_general(
        x, mu, (((1,), (1,)), ((), ())),
        preferred_element_type=jnp.float32)
    x_norm = jnp.sqrt(jnp.sum(x * x, axis=1, keepdims=True))
    mu_norm = jnp.sqrt(jnp.sum(mu * mu, axis=1))
    cos = dot / jnp.maximum(x_norm * mu_norm[None, :], 1e-8)
    m = jnp.max(cos, axis=1, keepdims=True)
    e = jnp.exp(cos - m)
    p = e / jnp.sum(e, axis=1, keepdims=True)
    partial = jnp.sum(p, axis=0, keepdims=True)
    row = jax.lax.broadcasted_iota(jnp.int32, (_B, 1), 0) == b
    s_acc[...] += jnp.where(row, partial, 0.0)

    @pl.when((b == _B - 1) & (t == nt - 1))
    def _finish():
        s = s_acc[...]
        sm = jnp.max(s, axis=1, keepdims=True)
        se = jnp.exp(s - sm)
        r = se / jnp.sum(se, axis=1, keepdims=True)
        iota_k = jax.lax.broadcasted_iota(jnp.int32, (_B, _K), 1)
        lane_s = jax.lax.broadcasted_iota(jnp.int32, (_B, _S), 1)
        idx_acc = jnp.zeros((_B, _S), jnp.int32)
        rr = r
        for j in range(_S):
            mj = jnp.max(rr, axis=1, keepdims=True)
            idxj = jnp.min(jnp.where(rr == mj, iota_k, _K), axis=1,
                           keepdims=True)
            idx_acc = jnp.where(lane_s == j, idxj, idx_acc)
            rr = jnp.where(iota_k == idxj, -1.0, rr)
        idx_ref[...] = idx_acc


def _run_router(x, mu):
    nt = _T // _TT
    return pl.pallas_call(
        _router_body,
        grid=(_B, nt),
        in_specs=[
            pl.BlockSpec((1, _TT, _D), lambda b, t: (b, t, 0)),
            pl.BlockSpec((_K, _D), lambda b, t: (0, 0)),
        ],
        out_specs=pl.BlockSpec((_B, _S), lambda b, t: (0, 0)),
        out_shape=jax.ShapeDtypeStruct((_B, _S), jnp.int32),
        scratch_shapes=[pltpu.VMEM((_B, _K), jnp.float32)],
        compiler_params=pltpu.CompilerParams(
            dimension_semantics=("arbitrary", "arbitrary")),
    )(x, mu)


_ROWS_PER_WORKER = 8
_N_ACTIVE = (_B * _S) // _ROWS_PER_WORKER


def _sc_sample_body(idx_hbm, mu_hbm, ls_hbm, eps_hbm, out_hbm,
                    idx_v, mu_rows, ls_rows, eps_rows, out_rows, sem):
    wid = lax.axis_index("s") * _NC + lax.axis_index("c")

    @pl.when(wid < _N_ACTIVE)
    def _():
        base = wid * _ROWS_PER_WORKER
        pltpu.sync_copy(idx_hbm.at[pl.ds(base, _ROWS_PER_WORKER)], idx_v)
        pltpu.async_copy(mu_hbm.at[idx_v], mu_rows, sem).wait()
        pltpu.async_copy(ls_hbm.at[idx_v], ls_rows, sem).wait()
        pltpu.sync_copy(eps_hbm.at[pl.ds(base, _ROWS_PER_WORKER)], eps_rows)
        for r in range(_ROWS_PER_WORKER):
            def chunk(i, carry, r=r):
                sl = pl.ds(i * 16, 16)
                out_rows[r, sl] = (mu_rows[r, sl]
                                   + jnp.exp(ls_rows[r, sl]) * eps_rows[r, sl])
                return carry
            lax.fori_loop(0, _D // 16, chunk, 0)
        pltpu.sync_copy(out_rows, out_hbm.at[pl.ds(base, _ROWS_PER_WORKER)])


@functools.cache
def _sc_sample_kernel():
    return pl.kernel(
        _sc_sample_body,
        out_type=jax.ShapeDtypeStruct((_B * _S, _D), jnp.float32),
        mesh=plsc.VectorSubcoreMesh(core_axis_name="c", subcore_axis_name="s"),
        scratch_types=[
            pltpu.VMEM((_ROWS_PER_WORKER,), jnp.int32),
            pltpu.VMEM((_ROWS_PER_WORKER, _D), jnp.float32),
            pltpu.VMEM((_ROWS_PER_WORKER, _D), jnp.float32),
            pltpu.VMEM((_ROWS_PER_WORKER, _D), jnp.float32),
            pltpu.VMEM((_ROWS_PER_WORKER, _D), jnp.float32),
            pltpu.SemaphoreType.DMA,
        ],
    )


@jax.jit
def _run(x, mu, log_sigma, eps):
    idx = _run_router(x, mu).reshape(_B * _S)
    out = _sc_sample_kernel()(idx, mu, log_sigma, eps)
    return out.reshape(_B, _S, _D)


def kernel(x, mu, log_sigma, n_slots):
    eps = jax.random.normal(jax.random.key(42), (_B * _S, _D), jnp.float32)
    return _run(x, mu, log_sigma, eps)

# --- scband reference (transcript-rebuilt; emitter-appended) ---
"""Pipeline reference for scband-concept-bank-83588653515221 (READ-ONLY COPY).

The authoritative reference and input builder live on the scoring server;
editing this copy changes nothing except your own understanding.
"""

import jax, jax.numpy as jnp
import numpy as np
import math

DIM = 1024
N_CONCEPTS = 64
B, T = 4, 2048

def setup_inputs(seed: int = 0) -> dict:
    key = jax.random.key(seed)
    k_x, k_mu, k_ls = jax.random.split(key, 3)
    x = jax.random.normal(k_x, (B, T, DIM), dtype=jnp.float32)
    mu = jax.random.normal(k_mu, (N_CONCEPTS, DIM), dtype=jnp.float32)
    # xavier_uniform_ on shape (n_concepts, 1, dim): fan_in = 1*dim, fan_out = n_concepts*dim
    a = math.sqrt(6.0 / (DIM + N_CONCEPTS * DIM))
    log_sigma = jax.random.uniform(k_ls, (N_CONCEPTS, DIM), dtype=jnp.float32, minval=-a, maxval=a)
    return {"x": x, "mu": mu, "log_sigma": log_sigma, "n_slots": 8}

def reference(x, mu, log_sigma, n_slots=8):
    # F.cosine_similarity(x[:,:,None,:], mu[None,None,:,:], dim=-1), eps=1e-8
    dot = jnp.einsum('btd,kd->btk', x, mu)  # [B,T,K]
    x_norm = jnp.linalg.norm(x, axis=-1)[:, :, None]          # [B,T,1]
    mu_norm = jnp.linalg.norm(mu, axis=-1)[None, None, :]     # [1,1,K]
    cosine_sim = dot / jnp.maximum(x_norm * mu_norm, 1e-8)    # [B,T,K]
    cosine_sim_soft = jax.nn.softmax(cosine_sim, axis=-1)     # softmax over concepts
    r = jax.nn.softmax(cosine_sim_soft.sum(axis=1), axis=-1)  # [B,K]
    n_slots_static = 8
    _, idx = jax.lax.top_k(r, n_slots_static)                 # [B,n_slots]
    mu_sample = mu[idx]                                       # gather -> [B,n_slots,D]
    sigma_sample = jnp.exp(log_sigma[idx])                    # [B,n_slots,D]
    eps = jax.random.normal(jax.random.key(42), mu_sample.shape, dtype=mu_sample.dtype)
    sample = mu_sample + sigma_sample * eps
    sample = jnp.where(jnp.asarray(n_slots) == n_slots_static, sample, sample)
    return sample

if __name__ == "__main__":
    import jax
    _d = setup_inputs()
    print(jax.jit(kernel)(*tuple(_d.values())))

</pallas_src>

<mosaic_0001>
#map = affine_map<(d0, d1) -> (0)>
#map1 = affine_map<(d0, d1) -> (0, 0)>
module attributes {stable_mosaic.version = 14 : i64} {
  func.func @_sc_sample_body(%arg0: i32, %arg1: i32, %arg2: memref<32xi32, #tpu.memory_space<hbm>>, %arg3: memref<64x1024xf32, #tpu.memory_space<hbm>>, %arg4: memref<64x1024xf32, #tpu.memory_space<hbm>>, %arg5: memref<32x1024xf32, #tpu.memory_space<hbm>>, %arg6: memref<32x1024xf32, #tpu.memory_space<hbm>>, %arg7: memref<8xi32, #tpu.memory_space<vmem>>, %arg8: memref<8x1024xf32, #tpu.memory_space<vmem>>, %arg9: memref<8x1024xf32, #tpu.memory_space<vmem>>, %arg10: memref<8x1024xf32, #tpu.memory_space<vmem>>, %arg11: memref<8x1024xf32, #tpu.memory_space<vmem>>, %arg12: memref<!tpu.dma_semaphore, #tpu.memory_space<semaphore_mem>>) attributes {dimension_semantics = [#tpu.dimension_semantics<core_parallel>, #tpu.dimension_semantics<subcore_parallel>], iteration_bounds = array<i64: 2, 16>, scalar_prefetch = 0 : i64, scratch_operands = 6 : i64, tpu.core_type = #tpu.core_type<sc_vector_subcore>, window_params = [{transform_indices = #map}, {transform_indices = #map1}, {transform_indices = #map1}, {transform_indices = #map1}, {transform_indices = #map1}]} {
    %mul3A = arith.constant 2 : i32
    %mul3A_0 = arith.muli %arg1, %mul3A : i32
    %add3A = arith.addi %mul3A_0, %arg0 : i32
    %lt3A = arith.constant 4 : i32
    %lt3A_1 = arith.cmpi slt, %add3A, %lt3A : i32
    %convert_element_type3A = arith.extui %lt3A_1 : i1 to i32
    %cond3A = arith.constant 0 : i32
    %cond3A_2 = arith.cmpi ne, %convert_element_type3A, %cond3A : i32
    scf.if %cond3A_2 {
      %mul3A_3 = arith.constant 8 : i32
      %mul3A_4 = arith.muli %add3A, %mul3A_3 : i32
      "tpu.region"() ({
        %run_scoped3A = tpu.sem_alloc : memref<!tpu.dma_semaphore, #tpu.memory_space<semaphore_mem>>
        %dma_start3A_62 = tpu.memref_slice %arg2[%mul3A_4] : memref<32xi32, #tpu.memory_space<hbm>> -> memref<8xi32, #tpu.memory_space<hbm>>
        %dma_start3A_63 = tpu.memref_slice %arg2[%mul3A_4] : memref<32xi32, #tpu.memory_space<hbm>> -> memref<8xi32, #tpu.memory_space<hbm>>
        tpu.enqueue_dma source(%dma_start3A_63 : memref<8xi32, #tpu.memory_space<hbm>>) target(%arg7 : memref<8xi32, #tpu.memory_space<vmem>>) target_semaphore(%run_scoped3A : memref<!tpu.dma_semaphore, #tpu.memory_space<semaphore_mem>>)
        %dma_wait3A_64 = tpu.memref_slice %arg2[%mul3A_4] : memref<32xi32, #tpu.memory_space<hbm>> -> memref<8xi32, #tpu.memory_space<hbm>>
        %dma_wait3A_65 = tpu.memref_slice %arg2[%mul3A_4] : memref<32xi32, #tpu.memory_space<hbm>> -> memref<8xi32, #tpu.memory_space<hbm>>
        tpu.wait_dma2 semaphore(%run_scoped3A : memref<!tpu.dma_semaphore, #tpu.memory_space<semaphore_mem>>) src(%dma_wait3A_65 : memref<8xi32, #tpu.memory_space<hbm>>) dst(%arg7 : memref<8xi32, #tpu.memory_space<vmem>>)
        tpu.yield
      }) : () -> ()
      %dma_start3A = arith.constant 0 : i32
      %dma_start3A_5 = arith.constant 0 : i32
      %dma_start3A_6 = tpu.memref_slice %arg3[%dma_start3A, %dma_start3A_5] : memref<64x1024xf32, #tpu.memory_space<hbm>> -> memref<64x1024xf32, #tpu.memory_space<hbm>>
      tpu.enqueue_indirect_dma source(%dma_start3A_6 : memref<64x1024xf32, #tpu.memory_space<hbm>>) target(%arg8 : memref<8x1024xf32, #tpu.memory_space<vmem>>) offsets(%arg7 : memref<8xi32, #tpu.memory_space<vmem>>) semaphore(%arg12 : memref<!tpu.dma_semaphore, #tpu.memory_space<semaphore_mem>>)
      %dma_wait3A = arith.constant 0 : i32
      %dma_wait3A_7 = arith.constant 0 : i32
      %dma_wait3A_8 = tpu.memref_slice %arg3[%dma_wait3A, %dma_wait3A_7] : memref<64x1024xf32, #tpu.memory_space<hbm>> -> memref<64x1024xf32, #tpu.memory_space<hbm>>
      tpu.wait_indirect_dma semaphore(%arg12 : memref<!tpu.dma_semaphore, #tpu.memory_space<semaphore_mem>>) src(%dma_wait3A_8 : memref<64x1024xf32, #tpu.memory_space<hbm>>) dst(%arg8 : memref<8x1024xf32, #tpu.memory_space<vmem>>)
      %dma_start3A_9 = arith.constant 0 : i32
      %dma_start3A_10 = arith.constant 0 : i32
      %dma_start3A_11 = tpu.memref_slice %arg4[%dma_start3A_9, %dma_start3A_10] : memref<64x1024xf32, #tpu.memory_space<hbm>> -> memref<64x1024xf32, #tpu.memory_space<hbm>>
      tpu.enqueue_indirect_dma source(%dma_start3A_11 : memref<64x1024xf32, #tpu.memory_space<hbm>>) target(%arg9 : memref<8x1024xf32, #tpu.memory_space<vmem>>) offsets(%arg7 : memref<8xi32, #tpu.memory_space<vmem>>) semaphore(%arg12 : memref<!tpu.dma_semaphore, #tpu.memory_space<semaphore_mem>>)
      %dma_wait3A_12 = arith.constant 0 : i32
      %dma_wait3A_13 = arith.constant 0 : i32
      %dma_wait3A_14 = tpu.memref_slice %arg4[%dma_wait3A_12, %dma_wait3A_13] : memref<64x1024xf32, #tpu.memory_space<hbm>> -> memref<64x1024xf32, #tpu.memory_space<hbm>>
      tpu.wait_indirect_dma semaphore(%arg12 : memref<!tpu.dma_semaphore, #tpu.memory_space<semaphore_mem>>) src(%dma_wait3A_14 : memref<64x1024xf32, #tpu.memory_space<hbm>>) dst(%arg9 : memref<8x1024xf32, #tpu.memory_space<vmem>>)
      "tpu.region"() ({
        %run_scoped3A = tpu.sem_alloc : memref<!tpu.dma_semaphore, #tpu.memory_space<semaphore_mem>>
        %dma_start3A_62 = arith.constant 0 : i32
        %dma_start3A_63 = tpu.memref_slice %arg5[%mul3A_4, %dma_start3A_62] : memref<32x1024xf32, #tpu.memory_space<hbm>> -> memref<8x1024xf32, #tpu.memory_space<hbm>>
        %dma_start3A_64 = arith.constant 0 : i32
        %dma_start3A_65 = tpu.memref_slice %arg5[%mul3A_4, %dma_start3A_64] : memref<32x1024xf32, #tpu.memory_space<hbm>> -> memref<8x1024xf32, #tpu.memory_space<hbm>>
        tpu.enqueue_dma source(%dma_start3A_65 : memref<8x1024xf32, #tpu.memory_space<hbm>>) target(%arg10 : memref<8x1024xf32, #tpu.memory_space<vmem>>) target_semaphore(%run_scoped3A : memref<!tpu.dma_semaphore, #tpu.memory_space<semaphore_mem>>)
        %dma_wait3A_66 = arith.constant 0 : i32
        %dma_wait3A_67 = tpu.memref_slice %arg5[%mul3A_4, %dma_wait3A_66] : memref<32x1024xf32, #tpu.memory_space<hbm>> -> memref<8x1024xf32, #tpu.memory_space<hbm>>
        %dma_wait3A_68 = arith.constant 0 : i32
        %dma_wait3A_69 = tpu.memref_slice %arg5[%mul3A_4, %dma_wait3A_68] : memref<32x1024xf32, #tpu.memory_space<hbm>> -> memref<8x1024xf32, #tpu.memory_space<hbm>>
        tpu.wait_dma2 semaphore(%run_scoped3A : memref<!tpu.dma_semaphore, #tpu.memory_space<semaphore_mem>>) src(%dma_wait3A_69 : memref<8x1024xf32, #tpu.memory_space<hbm>>) dst(%arg10 : memref<8x1024xf32, #tpu.memory_space<vmem>>)
        tpu.yield
      }) : () -> ()
      %scan3A = arith.constant 0 : i32
      %scan3A_15 = arith.constant 0 : i32
      %scan3A_16 = arith.constant 64 : i32
      %scan3A_17 = arith.addi %scan3A_15, %scan3A_16 : i32
      %scan3A_18 = arith.constant 1 : i32
      scf.for %scan3A_62 = %scan3A_15 to %scan3A_17 step %scan3A_18  : i32 {
        %mul3A_63 = arith.constant 16 : i32
        %mul3A_64 = arith.muli %scan3A_62, %mul3A_63 : i32
        %get3A = arith.constant 0 : i32
        %get3A_65 = arith.index_cast %get3A : i32 to index
        %get3A_66 = arith.index_cast %mul3A_64 : i32 to index
        %get3A_67 = tpu.vector_load %arg8[%get3A_65, %get3A_66] {strides = array<i32>} : memref<8x1024xf32, #tpu.memory_space<vmem>>, vector<1x16xf32>,
        %get3A_68 = vector.shape_cast %get3A_67 : vector<1x16xf32> to vector<16xf32>
        %get3A_69 = arith.constant 0 : i32
        %get3A_70 = arith.index_cast %get3A_69 : i32 to index
        %get3A_71 = arith.index_cast %mul3A_64 : i32 to index
        %get3A_72 = tpu.vector_load %arg9[%get3A_70, %get3A_71] {strides = array<i32>} : memref<8x1024xf32, #tpu.memory_space<vmem>>, vector<1x16xf32>,
        %get3A_73 = vector.shape_cast %get3A_72 : vector<1x16xf32> to vector<16xf32>
        %exp3A = math.exp %get3A_73 : vector<16xf32>
        %get3A_74 = arith.constant 0 : i32
        %get3A_75 = arith.index_cast %get3A_74 : i32 to index
        %get3A_76 = arith.index_cast %mul3A_64 : i32 to index
        %get3A_77 = tpu.vector_load %arg10[%get3A_75, %get3A_76] {strides = array<i32>} : memref<8x1024xf32, #tpu.memory_space<vmem>>, vector<1x16xf32>,
        %get3A_78 = vector.shape_cast %get3A_77 : vector<1x16xf32> to vector<16xf32>
        %mul3A_79 = arith.mulf %exp3A, %get3A_78 : vector<16xf32>
        %add3A_80 = arith.addf %get3A_68, %mul3A_79 : vector<16xf32>
        %swap3A = arith.constant 0 : i32
        %swap3A_81 = arith.index_cast %swap3A : i32 to index
        %swap3A_82 = arith.index_cast %mul3A_64 : i32 to index
        %swap3A_83 = tpu.vector_load %arg11[%swap3A_81, %swap3A_82] {strides = array<i32>} : memref<8x1024xf32, #tpu.memory_space<vmem>>, vector<1x16xf32>,
        %swap3A_84 = vector.shape_cast %swap3A_83 : vector<1x16xf32> to vector<16xf32>
        %swap3A_85 = vector.shape_cast %add3A_80 : vector<16xf32> to vector<1x16xf32>
        tpu.vector_store %arg11[%swap3A_81, %swap3A_82], %swap3A_85 {strides = array<i32>} : memref<8x1024xf32, #tpu.memory_space<vmem>>, vector<1x16xf32>,
      }
      %scan3A_19 = arith.constant 64 : i32
      %scan3A_20 = arith.constant 0 : i32
      %scan3A_21 = arith.constant 0 : i32
      %scan3A_22 = arith.constant 64 : i32
      %scan3A_23 = arith.addi %scan3A_21, %scan3A_22 : i32
      %scan3A_24 = arith.constant 1 : i32
      scf.for %scan3A_62 = %scan3A_21 to %scan3A_23 step %scan3A_24  : i32 {
        %mul3A_63 = arith.constant 16 : i32
        %mul3A_64 = arith.muli %scan3A_62, %mul3A_63 : i32
        %get3A = arith.constant 1 : i32
        %get3A_65 = arith.index_cast %get3A : i32 to index
        %get3A_66 = arith.index_cast %mul3A_64 : i32 to index
        %get3A_67 = tpu.vector_load %arg8[%get3A_65, %get3A_66] {strides = array<i32>} : memref<8x1024xf32, #tpu.memory_space<vmem>>, vector<1x16xf32>,
        %get3A_68 = vector.shape_cast %get3A_67 : vector<1x16xf32> to vector<16xf32>
        %get3A_69 = arith.constant 1 : i32
        %get3A_70 = arith.index_cast %get3A_69 : i32 to index
        %get3A_71 = arith.index_cast %mul3A_64 : i32 to index
        %get3A_72 = tpu.vector_load %arg9[%get3A_70, %get3A_71] {strides = array<i32>} : memref<8x1024xf32, #tpu.memory_space<vmem>>, vector<1x16xf32>,
        %get3A_73 = vector.shape_cast %get3A_72 : vector<1x16xf32> to vector<16xf32>
        %exp3A = math.exp %get3A_73 : vector<16xf32>
        %get3A_74 = arith.constant 1 : i32
        %get3A_75 = arith.index_cast %get3A_74 : i32 to index
        %get3A_76 = arith.index_cast %mul3A_64 : i32 to index
        %get3A_77 = tpu.vector_load %arg10[%get3A_75, %get3A_76] {strides = array<i32>} : memref<8x1024xf32, #tpu.memory_space<vmem>>, vector<1x16xf32>,
        %get3A_78 = vector.shape_cast %get3A_77 : vector<1x16xf32> to vector<16xf32>
        %mul3A_79 = arith.mulf %exp3A, %get3A_78 : vector<16xf32>
        %add3A_80 = arith.addf %get3A_68, %mul3A_79 : vector<16xf32>
        %swap3A = arith.constant 1 : i32
        %swap3A_81 = arith.index_cast %swap3A : i32 to index
        %swap3A_82 = arith.index_cast %mul3A_64 : i32 to index
        %swap3A_83 = tpu.vector_load %arg11[%swap3A_81, %swap3A_82] {strides = array<i32>} : memref<8x1024xf32, #tpu.memory_space<vmem>>, vector<1x16xf32>,
        %swap3A_84 = vector.shape_cast %swap3A_83 : vector<1x16xf32> to vector<16xf32>
        %swap3A_85 = vector.shape_cast %add3A_80 : vector<16xf32> to vector<1x16xf32>
        tpu.vector_store %arg11[%swap3A_81, %swap3A_82], %swap3A_85 {strides = array<i32>} : memref<8x1024xf32, #tpu.memory_space<vmem>>, vector<1x16xf32>,
      }
      %scan3A_25 = arith.constant 64 : i32
      %scan3A_26 = arith.constant 0 : i32
      %scan3A_27 = arith.constant 0 : i32
      %scan3A_28 = arith.constant 64 : i32
      %scan3A_29 = arith.addi %scan3A_27, %scan3A_28 : i32
      %scan3A_30 = arith.constant 1 : i32
      scf.for %scan3A_62 = %scan3A_27 to %scan3A_29 step %scan3A_30  : i32 {
        %mul3A_63 = arith.constant 16 : i32
        %mul3A_64 = arith.muli %scan3A_62, %mul3A_63 : i32
        %get3A = arith.constant 2 : i32
        %get3A_65 = arith.index_cast %get3A : i32 to index
        %get3A_66 = arith.index_cast %mul3A_64 : i32 to index
        %get3A_67 = tpu.vector_load %arg8[%get3A_65, %get3A_66] {strides = array<i32>} : memref<8x1024xf32, #tpu.memory_space<vmem>>, vector<1x16xf32>,
        %get3A_68 = vector.shape_cast %get3A_67 : vector<1x16xf32> to vector<16xf32>
        %get3A_69 = arith.constant 2 : i32
        %get3A_70 = arith.index_cast %get3A_69 : i32 to index
        %get3A_71 = arith.index_cast %mul3A_64 : i32 to index
        %get3A_72 = tpu.vector_load %arg9[%get3A_70, %get3A_71] {strides = array<i32>} : memref<8x1024xf32, #tpu.memory_space<vmem>>, vector<1x16xf32>,
        %get3A_73 = vector.shape_cast %get3A_72 : vector<1x16xf32> to vector<16xf32>
        %exp3A = math.exp %get3A_73 : vector<16xf32>
        %get3A_74 = arith.constant 2 : i32
        %get3A_75 = arith.index_cast %get3A_74 : i32 to index
        %get3A_76 = arith.index_cast %mul3A_64 : i32 to index
        %get3A_77 = tpu.vector_load %arg10[%get3A_75, %get3A_76] {strides = array<i32>} : memref<8x1024xf32, #tpu.memory_space<vmem>>, vector<1x16xf32>,
        %get3A_78 = vector.shape_cast %get3A_77 : vector<1x16xf32> to vector<16xf32>
        %mul3A_79 = arith.mulf %exp3A, %get3A_78 : vector<16xf32>
        %add3A_80 = arith.addf %get3A_68, %mul3A_79 : vector<16xf32>
        %swap3A = arith.constant 2 : i32
        %swap3A_81 = arith.index_cast %swap3A : i32 to index
        %swap3A_82 = arith.index_cast %mul3A_64 : i32 to index
        %swap3A_83 = tpu.vector_load %arg11[%swap3A_81, %swap3A_82] {strides = array<i32>} : memref<8x1024xf32, #tpu.memory_space<vmem>>, vector<1x16xf32>,
        %swap3A_84 = vector.shape_cast %swap3A_83 : vector<1x16xf32> to vector<16xf32>
        %swap3A_85 = vector.shape_cast %add3A_80 : vector<16xf32> to vector<1x16xf32>
        tpu.vector_store %arg11[%swap3A_81, %swap3A_82], %swap3A_85 {strides = array<i32>} : memref<8x1024xf32, #tpu.memory_space<vmem>>, vector<1x16xf32>,
      }
      %scan3A_31 = arith.constant 64 : i32
      %scan3A_32 = arith.constant 0 : i32
      %scan3A_33 = arith.constant 0 : i32
      %scan3A_34 = arith.constant 64 : i32
      %scan3A_35 = arith.addi %scan3A_33, %scan3A_34 : i32
      %scan3A_36 = arith.constant 1 : i32
      scf.for %scan3A_62 = %scan3A_33 to %scan3A_35 step %scan3A_36  : i32 {
        %mul3A_63 = arith.constant 16 : i32
        %mul3A_64 = arith.muli %scan3A_62, %mul3A_63 : i32
        %get3A = arith.constant 3 : i32
        %get3A_65 = arith.index_cast %get3A : i32 to index
        %get3A_66 = arith.index_cast %mul3A_64 : i32 to index
        %get3A_67 = tpu.vector_load %arg8[%get3A_65, %get3A_66] {strides = array<i32>} : memref<8x1024xf32, #tpu.memory_space<vmem>>, vector<1x16xf32>,
        %get3A_68 = vector.shape_cast %get3A_67 : vector<1x16xf32> to vector<16xf32>
        %get3A_69 = arith.constant 3 : i32
        %get3A_70 = arith.index_cast %get3A_69 : i32 to index
        %get3A_71 = arith.index_cast %mul3A_64 : i32 to index
        %get3A_72 = tpu.vector_load %arg9[%get3A_70, %get3A_71] {strides = array<i32>} : memref<8x1024xf32, #tpu.memory_space<vmem>>, vector<1x16xf32>,
        %get3A_73 = vector.shape_cast %get3A_72 : vector<1x16xf32> to vector<16xf32>
        %exp3A = math.exp %get3A_73 : vector<16xf32>
        %get3A_74 = arith.constant 3 : i32
        %get3A_75 = arith.index_cast %get3A_74 : i32 to index
        %get3A_76 = arith.index_cast %mul3A_64 : i32 to index
        %get3A_77 = tpu.vector_load %arg10[%get3A_75, %get3A_76] {strides = array<i32>} : memref<8x1024xf32, #tpu.memory_space<vmem>>, vector<1x16xf32>,
        %get3A_78 = vector.shape_cast %get3A_77 : vector<1x16xf32> to vector<16xf32>
        %mul3A_79 = arith.mulf %exp3A, %get3A_78 : vector<16xf32>
        %add3A_80 = arith.addf %get3A_68, %mul3A_79 : vector<16xf32>
        %swap3A = arith.constant 3 : i32
        %swap3A_81 = arith.index_cast %swap3A : i32 to index
        %swap3A_82 = arith.index_cast %mul3A_64 : i32 to index
        %swap3A_83 = tpu.vector_load %arg11[%swap3A_81, %swap3A_82] {strides = array<i32>} : memref<8x1024xf32, #tpu.memory_space<vmem>>, vector<1x16xf32>,
        %swap3A_84 = vector.shape_cast %swap3A_83 : vector<1x16xf32> to vector<16xf32>
        %swap3A_85 = vector.shape_cast %add3A_80 : vector<16xf32> to vector<1x16xf32>
        tpu.vector_store %arg11[%swap3A_81, %swap3A_82], %swap3A_85 {strides = array<i32>} : memref<8x1024xf32, #tpu.memory_space<vmem>>, vector<1x16xf32>,
      }
      %scan3A_37 = arith.constant 64 : i32
      %scan3A_38 = arith.constant 0 : i32
      %scan3A_39 = arith.constant 0 : i32
      %scan3A_40 = arith.constant 64 : i32
      %scan3A_41 = arith.addi %scan3A_39, %scan3A_40 : i32
      %scan3A_42 = arith.constant 1 : i32
      scf.for %scan3A_62 = %scan3A_39 to %scan3A_41 step %scan3A_42  : i32 {
        %mul3A_63 = arith.constant 16 : i32
        %mul3A_64 = arith.muli %scan3A_62, %mul3A_63 : i32
        %get3A = arith.constant 4 : i32
        %get3A_65 = arith.index_cast %get3A : i32 to index
        %get3A_66 = arith.index_cast %mul3A_64 : i32 to index
        %get3A_67 = tpu.vector_load %arg8[%get3A_65, %get3A_66] {strides = array<i32>} : memref<8x1024xf32, #tpu.memory_space<vmem>>, vector<1x16xf32>,
        %get3A_68 = vector.shape_cast %get3A_67 : vector<1x16xf32> to vector<16xf32>
        %get3A_69 = arith.constant 4 : i32
        %get3A_70 = arith.index_cast %get3A_69 : i32 to index
        %get3A_71 = arith.index_cast %mul3A_64 : i32 to index
        %get3A_72 = tpu.vector_load %arg9[%get3A_70, %get3A_71] {strides = array<i32>} : memref<8x1024xf32, #tpu.memory_space<vmem>>, vector<1x16xf32>,
        %get3A_73 = vector.shape_cast %get3A_72 : vector<1x16xf32> to vector<16xf32>
        %exp3A = math.exp %get3A_73 : vector<16xf32>
        %get3A_74 = arith.constant 4 : i32
        %get3A_75 = arith.index_cast %get3A_74 : i32 to index
        %get3A_76 = arith.index_cast %mul3A_64 : i32 to index
        %get3A_77 = tpu.vector_load %arg10[%get3A_75, %get3A_76] {strides = array<i32>} : memref<8x1024xf32, #tpu.memory_space<vmem>>, vector<1x16xf32>,
        %get3A_78 = vector.shape_cast %get3A_77 : vector<1x16xf32> to vector<16xf32>
        %mul3A_79 = arith.mulf %exp3A, %get3A_78 : vector<16xf32>
        %add3A_80 = arith.addf %get3A_68, %mul3A_79 : vector<16xf32>
        %swap3A = arith.constant 4 : i32
        %swap3A_81 = arith.index_cast %swap3A : i32 to index
        %swap3A_82 = arith.index_cast %mul3A_64 : i32 to index
        %swap3A_83 = tpu.vector_load %arg11[%swap3A_81, %swap3A_82] {strides = array<i32>} : memref<8x1024xf32, #tpu.memory_space<vmem>>, vector<1x16xf32>,
        %swap3A_84 = vector.shape_cast %swap3A_83 : vector<1x16xf32> to vector<16xf32>
        %swap3A_85 = vector.shape_cast %add3A_80 : vector<16xf32> to vector<1x16xf32>
        tpu.vector_store %arg11[%swap3A_81, %swap3A_82], %swap3A_85 {strides = array<i32>} : memref<8x1024xf32, #tpu.memory_space<vmem>>, vector<1x16xf32>,
      }
      %scan3A_43 = arith.constant 64 : i32
      %scan3A_44 = arith.constant 0 : i32
      %scan3A_45 = arith.constant 0 : i32
      %scan3A_46 = arith.constant 64 : i32
      %scan3A_47 = arith.addi %scan3A_45, %scan3A_46 : i32
      %scan3A_48 = arith.constant 1 : i32
      scf.for %scan3A_62 = %scan3A_45 to %scan3A_47 step %scan3A_48  : i32 {
        %mul3A_63 = arith.constant 16 : i32
        %mul3A_64 = arith.muli %scan3A_62, %mul3A_63 : i32
        %get3A = arith.constant 5 : i32
        %get3A_65 = arith.index_cast %get3A : i32 to index
        %get3A_66 = arith.index_cast %mul3A_64 : i32 to index
        %get3A_67 = tpu.vector_load %arg8[%get3A_65, %get3A_66] {strides = array<i32>} : memref<8x1024xf32, #tpu.memory_space<vmem>>, vector<1x16xf32>,
        %get3A_68 = vector.shape_cast %get3A_67 : vector<1x16xf32> to vector<16xf32>
        %get3A_69 = arith.constant 5 : i32
        %get3A_70 = arith.index_cast %get3A_69 : i32 to index
        %get3A_71 = arith.index_cast %mul3A_64 : i32 to index
        %get3A_72 = tpu.vector_load %arg9[%get3A_70, %get3A_71] {strides = array<i32>} : memref<8x1024xf32, #tpu.memory_space<vmem>>, vector<1x16xf32>,
        %get3A_73 = vector.shape_cast %get3A_72 : vector<1x16xf32> to vector<16xf32>
        %exp3A = math.exp %get3A_73 : vector<16xf32>
        %get3A_74 = arith.constant 5 : i32
        %get3A_75 = arith.index_cast %get3A_74 : i32 to index
        %get3A_76 = arith.index_cast %mul3A_64 : i32 to index
        %get3A_77 = tpu.vector_load %arg10[%get3A_75, %get3A_76] {strides = array<i32>} : memref<8x1024xf32, #tpu.memory_space<vmem>>, vector<1x16xf32>,
        %get3A_78 = vector.shape_cast %get3A_77 : vector<1x16xf32> to vector<16xf32>
        %mul3A_79 = arith.mulf %exp3A, %get3A_78 : vector<16xf32>
        %add3A_80 = arith.addf %get3A_68, %mul3A_79 : vector<16xf32>
        %swap3A = arith.constant 5 : i32
        %swap3A_81 = arith.index_cast %swap3A : i32 to index
        %swap3A_82 = arith.index_cast %mul3A_64 : i32 to index
        %swap3A_83 = tpu.vector_load %arg11[%swap3A_81, %swap3A_82] {strides = array<i32>} : memref<8x1024xf32, #tpu.memory_space<vmem>>, vector<1x16xf32>,
        %swap3A_84 = vector.shape_cast %swap3A_83 : vector<1x16xf32> to vector<16xf32>
        %swap3A_85 = vector.shape_cast %add3A_80 : vector<16xf32> to vector<1x16xf32>
        tpu.vector_store %arg11[%swap3A_81, %swap3A_82], %swap3A_85 {strides = array<i32>} : memref<8x1024xf32, #tpu.memory_space<vmem>>, vector<1x16xf32>,
      }
      %scan3A_49 = arith.constant 64 : i32
      %scan3A_50 = arith.constant 0 : i32
      %scan3A_51 = arith.constant 0 : i32
      %scan3A_52 = arith.constant 64 : i32
      %scan3A_53 = arith.addi %scan3A_51, %scan3A_52 : i32
      %scan3A_54 = arith.constant 1 : i32
      scf.for %scan3A_62 = %scan3A_51 to %scan3A_53 step %scan3A_54  : i32 {
        %mul3A_63 = arith.constant 16 : i32
        %mul3A_64 = arith.muli %scan3A_62, %mul3A_63 : i32
        %get3A = arith.constant 6 : i32
        %get3A_65 = arith.index_cast %get3A : i32 to index
        %get3A_66 = arith.index_cast %mul3A_64 : i32 to index
        %get3A_67 = tpu.vector_load %arg8[%get3A_65, %get3A_66] {strides = array<i32>} : memref<8x1024xf32, #tpu.memory_space<vmem>>, vector<1x16xf32>,
        %get3A_68 = vector.shape_cast %get3A_67 : vector<1x16xf32> to vector<16xf32>
        %get3A_69 = arith.constant 6 : i32
        %get3A_70 = arith.index_cast %get3A_69 : i32 to index
        %get3A_71 = arith.index_cast %mul3A_64 : i32 to index
        %get3A_72 = tpu.vector_load %arg9[%get3A_70, %get3A_71] {strides = array<i32>} : memref<8x1024xf32, #tpu.memory_space<vmem>>, vector<1x16xf32>,
        %get3A_73 = vector.shape_cast %get3A_72 : vector<1x16xf32> to vector<16xf32>
        %exp3A = math.exp %get3A_73 : vector<16xf32>
        %get3A_74 = arith.constant 6 : i32
        %get3A_75 = arith.index_cast %get3A_74 : i32 to index
        %get3A_76 = arith.index_cast %mul3A_64 : i32 to index
        %get3A_77 = tpu.vector_load %arg10[%get3A_75, %get3A_76] {strides = array<i32>} : memref<8x1024xf32, #tpu.memory_space<vmem>>, vector<1x16xf32>,
        %get3A_78 = vector.shape_cast %get3A_77 : vector<1x16xf32> to vector<16xf32>
        %mul3A_79 = arith.mulf %exp3A, %get3A_78 : vector<16xf32>
        %add3A_80 = arith.addf %get3A_68, %mul3A_79 : vector<16xf32>
        %swap3A = arith.constant 6 : i32
        %swap3A_81 = arith.index_cast %swap3A : i32 to index
        %swap3A_82 = arith.index_cast %mul3A_64 : i32 to index
        %swap3A_83 = tpu.vector_load %arg11[%swap3A_81, %swap3A_82] {strides = array<i32>} : memref<8x1024xf32, #tpu.memory_space<vmem>>, vector<1x16xf32>,
        %swap3A_84 = vector.shape_cast %swap3A_83 : vector<1x16xf32> to vector<16xf32>
        %swap3A_85 = vector.shape_cast %add3A_80 : vector<16xf32> to vector<1x16xf32>
        tpu.vector_store %arg11[%swap3A_81, %swap3A_82], %swap3A_85 {strides = array<i32>} : memref<8x1024xf32, #tpu.memory_space<vmem>>, vector<1x16xf32>,
      }
      %scan3A_55 = arith.constant 64 : i32
      %scan3A_56 = arith.constant 0 : i32
      %scan3A_57 = arith.constant 0 : i32
      %scan3A_58 = arith.constant 64 : i32
      %scan3A_59 = arith.addi %scan3A_57, %scan3A_58 : i32
      %scan3A_60 = arith.constant 1 : i32
      scf.for %scan3A_62 = %scan3A_57 to %scan3A_59 step %scan3A_60  : i32 {
        %mul3A_63 = arith.constant 16 : i32
        %mul3A_64 = arith.muli %scan3A_62, %mul3A_63 : i32
        %get3A = arith.constant 7 : i32
        %get3A_65 = arith.index_cast %get3A : i32 to index
        %get3A_66 = arith.index_cast %mul3A_64 : i32 to index
        %get3A_67 = tpu.vector_load %arg8[%get3A_65, %get3A_66] {strides = array<i32>} : memref<8x1024xf32, #tpu.memory_space<vmem>>, vector<1x16xf32>,
        %get3A_68 = vector.shape_cast %get3A_67 : vector<1x16xf32> to vector<16xf32>
        %get3A_69 = arith.constant 7 : i32
        %get3A_70 = arith.index_cast %get3A_69 : i32 to index
        %get3A_71 = arith.index_cast %mul3A_64 : i32 to index
        %get3A_72 = tpu.vector_load %arg9[%get3A_70, %get3A_71] {strides = array<i32>} : memref<8x1024xf32, #tpu.memory_space<vmem>>, vector<1x16xf32>,
        %get3A_73 = vector.shape_cast %get3A_72 : vector<1x16xf32> to vector<16xf32>
        %exp3A = math.exp %get3A_73 : vector<16xf32>
        %get3A_74 = arith.constant 7 : i32
        %get3A_75 = arith.index_cast %get3A_74 : i32 to index
        %get3A_76 = arith.index_cast %mul3A_64 : i32 to index
        %get3A_77 = tpu.vector_load %arg10[%get3A_75, %get3A_76] {strides = array<i32>} : memref<8x1024xf32, #tpu.memory_space<vmem>>, vector<1x16xf32>,
        %get3A_78 = vector.shape_cast %get3A_77 : vector<1x16xf32> to vector<16xf32>
        %mul3A_79 = arith.mulf %exp3A, %get3A_78 : vector<16xf32>
        %add3A_80 = arith.addf %get3A_68, %mul3A_79 : vector<16xf32>
        %swap3A = arith.constant 7 : i32
        %swap3A_81 = arith.index_cast %swap3A : i32 to index
        %swap3A_82 = arith.index_cast %mul3A_64 : i32 to index
        %swap3A_83 = tpu.vector_load %arg11[%swap3A_81, %swap3A_82] {strides = array<i32>} : memref<8x1024xf32, #tpu.memory_space<vmem>>, vector<1x16xf32>,
        %swap3A_84 = vector.shape_cast %swap3A_83 : vector<1x16xf32> to vector<16xf32>
        %swap3A_85 = vector.shape_cast %add3A_80 : vector<16xf32> to vector<1x16xf32>
        tpu.vector_store %arg11[%swap3A_81, %swap3A_82], %swap3A_85 {strides = array<i32>} : memref<8x1024xf32, #tpu.memory_space<vmem>>, vector<1x16xf32>,
      }
      %scan3A_61 = arith.constant 64 : i32
      "tpu.region"() ({
        %run_scoped3A = tpu.sem_alloc : memref<!tpu.dma_semaphore, #tpu.memory_space<semaphore_mem>>
        %dma_start3A_62 = arith.constant 0 : i32
        %dma_start3A_63 = tpu.memref_slice %arg6[%mul3A_4, %dma_start3A_62] : memref<32x1024xf32, #tpu.memory_space<hbm>> -> memref<8x1024xf32, #tpu.memory_space<hbm>>
        %dma_start3A_64 = arith.constant 0 : i32
        %dma_start3A_65 = tpu.memref_slice %arg6[%mul3A_4, %dma_start3A_64] : memref<32x1024xf32, #tpu.memory_space<hbm>> -> memref<8x1024xf32, #tpu.memory_space<hbm>>
        tpu.enqueue_dma source(%arg11 : memref<8x1024xf32, #tpu.memory_space<vmem>>) target(%dma_start3A_65 : memref<8x1024xf32, #tpu.memory_space<hbm>>) target_semaphore(%run_scoped3A : memref<!tpu.dma_semaphore, #tpu.memory_space<semaphore_mem>>)
        %dma_wait3A_66 = arith.constant 0 : i32
        %dma_wait3A_67 = tpu.memref_slice %arg6[%mul3A_4, %dma_wait3A_66] : memref<32x1024xf32, #tpu.memory_space<hbm>> -> memref<8x1024xf32, #tpu.memory_space<hbm>>
        %dma_wait3A_68 = arith.constant 0 : i32
        %dma_wait3A_69 = tpu.memref_slice %arg6[%mul3A_4, %dma_wait3A_68] : memref<32x1024xf32, #tpu.memory_space<hbm>> -> memref<8x1024xf32, #tpu.memory_space<hbm>>
        tpu.wait_dma2 semaphore(%run_scoped3A : memref<!tpu.dma_semaphore, #tpu.memory_space<semaphore_mem>>) src(%arg11 : memref<8x1024xf32, #tpu.memory_space<vmem>>) dst(%dma_wait3A_69 : memref<8x1024xf32, #tpu.memory_space<hbm>>)
        tpu.yield
      }) : () -> ()
    } else {
    }
    return
  }
}

module attributes {stable_mosaic.version = 14 : i64} {
  func.func @_router_body(%arg0: i32, %arg1: i32, %arg2: memref<1x2048x1024xf32, #tpu.memory_space<vmem>>, %arg3: memref<64x1024xf32, #tpu.memory_space<vmem>>, %arg4: memref<4x8xi32, #tpu.memory_space<vmem>>, %arg5: memref<4x64xf32, #tpu.memory_space<vmem>>) attributes {dimension_semantics = [#tpu.dimension_semantics<arbitrary>, #tpu.dimension_semantics<arbitrary>], iteration_bounds = array<i64: 4, 1>, scalar_prefetch = 0 : i64, scratch_operands = 1 : i64, tpu.core_type = #tpu.core_type<tc>, window_params = [{transform_indices = @transform_0, window_bounds = array<i64: 1, 2048, 1024>}, {pipeline_mode = #tpu.pipeline_mode<synchronous>, transform_indices = @transform_1, window_bounds = array<i64: 64, 1024>}, {pipeline_mode = #tpu.pipeline_mode<synchronous>, transform_indices = @transform_2, window_bounds = array<i64: 4, 8>}]} {
    %eq3A = arith.constant 0 : i32
    %eq3A_0 = arith.cmpi eq, %arg0, %eq3A : i32
    %eq3A_1 = arith.constant 0 : i32
    %eq3A_2 = arith.cmpi eq, %arg1, %eq3A_1 : i32
    %and3A = arith.andi %eq3A_0, %eq3A_2 : i1
    %convert_element_type3A = arith.extui %and3A : i1 to i32
    %cond3A = arith.constant 0 : i32
    %cond3A_3 = arith.cmpi ne, %convert_element_type3A, %cond3A : i32
    scf.if %cond3A_3 {
      %broadcast_in_dim3A_54 = arith.constant 0.000000e+00 : f32
      %broadcast_in_dim3A_55 = vector.broadcast %broadcast_in_dim3A_54 : f32 to vector<4x64xf32>
      %swap3A_56 = arith.constant 0 : index
      %swap3A_57 = arith.constant 0 : index
      %swap3A_58 = vector.load %arg5[%swap3A_56, %swap3A_57] : memref<4x64xf32, #tpu.memory_space<vmem>>, vector<4x64xf32>
      tpu.vector_store %arg5[%swap3A_56, %swap3A_57], %broadcast_in_dim3A_55 {strides = array<i32>} : memref<4x64xf32, #tpu.memory_space<vmem>>, vector<4x64xf32>,
    } else {
    }
    %get3A = arith.constant 0 : index
    %get3A_4 = arith.constant 0 : index
    %get3A_5 = arith.constant 0 : index
    %get3A_6 = vector.load %arg2[%get3A, %get3A_4, %get3A_5] : memref<1x2048x1024xf32, #tpu.memory_space<vmem>>, vector<1x2048x1024xf32>
    %get3A_7 = vector.shape_cast %get3A_6 : vector<1x2048x1024xf32> to vector<2048x1024xf32>
    %get3A_8 = arith.constant 0 : index
    %get3A_9 = arith.constant 0 : index
    %get3A_10 = vector.load %arg3[%get3A_8, %get3A_9] : memref<64x1024xf32, #tpu.memory_space<vmem>>, vector<64x1024xf32>
    %dot_general3A = arith.constant dense<0.000000e+00> : vector<2048x64xf32>
    %dot_general3A_11 = tpu.matmul %get3A_7, %get3A_10, %dot_general3A {dimension_numbers = #tpu.dot_dimension_numbers<[1], [1], [0], [0], [0, 0, 1, 0], [], []>, transpose_lhs_hint = false} : vector<2048x1024xf32>, vector<64x1024xf32>, vector<2048x64xf32> -> vector<2048x64xf32>
    %mul3A = arith.mulf %get3A_7, %get3A_7 : vector<2048x1024xf32>
    %reduce_sum3A = arith.constant dense<0.000000e+00> : vector<2048xf32>
    %reduce_sum3A_12 = vector.multi_reduction <add>, %mul3A, %reduce_sum3A [1] : vector<2048x1024xf32> to vector<2048xf32>
    %broadcast_in_dim3A = vector.shape_cast %reduce_sum3A_12 : vector<2048xf32> to vector<2048x1xf32>
    %sqrt3A = math.sqrt %broadcast_in_dim3A : vector<2048x1xf32>
    %mul3A_13 = arith.mulf %get3A_10, %get3A_10 : vector<64x1024xf32>
    %reduce_sum3A_14 = arith.constant dense<0.000000e+00> : vector<64xf32>
    %reduce_sum3A_15 = vector.multi_reduction <add>, %mul3A_13, %reduce_sum3A_14 [1] : vector<64x1024xf32> to vector<64xf32>
    %sqrt3A_16 = math.sqrt %reduce_sum3A_15 : vector<64xf32>
    %broadcast_in_dim3A_17 = vector.shape_cast %sqrt3A_16 : vector<64xf32> to vector<1x64xf32>
    %mul3A_18 = vector.broadcast %sqrt3A : vector<2048x1xf32> to vector<2048x64xf32>
    %mul3A_19 = vector.broadcast %broadcast_in_dim3A_17 : vector<1x64xf32> to vector<2048x64xf32>
    %mul3A_20 = arith.mulf %mul3A_18, %mul3A_19 : vector<2048x64xf32>
    %max3A = arith.constant 9.99999993E-9 : f32
    %max3A_21 = vector.broadcast %max3A : f32 to vector<2048x64xf32>
    %max3A_22 = arith.maximumf %mul3A_20, %max3A_21 : vector<2048x64xf32>
    %div3A = arith.divf %dot_general3A_11, %max3A_22 : vector<2048x64xf32>
    %reduce_max3A = arith.constant dense<0xFF800000> : vector<2048xf32>
    %reduce_max3A_23 = vector.multi_reduction <maximumf>, %div3A, %reduce_max3A [1] : vector<2048x64xf32> to vector<2048xf32>
    %broadcast_in_dim3A_24 = vector.shape_cast %reduce_max3A_23 : vector<2048xf32> to vector<2048x1xf32>
    %sub3A = vector.broadcast %broadcast_in_dim3A_24 : vector<2048x1xf32> to vector<2048x64xf32>
    %sub3A_25 = arith.subf %div3A, %sub3A : vector<2048x64xf32>
    %exp3A = math.exp %sub3A_25 : vector<2048x64xf32>
    %reduce_sum3A_26 = arith.constant dense<0.000000e+00> : vector<2048xf32>
    %reduce_sum3A_27 = vector.multi_reduction <add>, %exp3A, %reduce_sum3A_26 [1] : vector<2048x64xf32> to vector<2048xf32>
    %broadcast_in_dim3A_28 = vector.shape_cast %reduce_sum3A_27 : vector<2048xf32> to vector<2048x1xf32>
    %div3A_29 = vector.broadcast %broadcast_in_dim3A_28 : vector<2048x1xf32> to vector<2048x64xf32>
    %div3A_30 = arith.divf %exp3A, %div3A_29 : vector<2048x64xf32>
    %reduce_sum3A_31 = arith.constant dense<0.000000e+00> : vector<64xf32>
    %reduce_sum3A_32 = vector.multi_reduction <add>, %div3A_30, %reduce_sum3A_31 [0] : vector<2048x64xf32> to vector<64xf32>
    %broadcast_in_dim3A_33 = vector.shape_cast %reduce_sum3A_32 : vector<64xf32> to vector<1x64xf32>
    %iota3A = tpu.iota {dimensions = array<i32: 0>} : vector<4x1xi32>
    %eq3A_34 = vector.broadcast %arg0 : i32 to vector<4x1xi32>
    %eq3A_35 = arith.cmpi eq, %iota3A, %eq3A_34 : vector<4x1xi32>
    %get3A_36 = arith.constant 0 : index
    %get3A_37 = arith.constant 0 : index
    %get3A_38 = vector.load %arg5[%get3A_36, %get3A_37] : memref<4x64xf32, #tpu.memory_space<vmem>>, vector<4x64xf32>
    %jit3A = arith.constant 0.000000e+00 : f32
    %broadcast_in_dim3A_39 = vector.shape_cast %eq3A_35 : vector<4x1xi1> to vector<4x1xi1>
    %broadcast_in_dim3A_40 = vector.broadcast %broadcast_in_dim3A_39 : vector<4x1xi1> to vector<4x64xi1>
    %broadcast_in_dim3A_41 = vector.shape_cast %broadcast_in_dim3A_33 : vector<1x64xf32> to vector<1x64xf32>
    %broadcast_in_dim3A_42 = vector.broadcast %broadcast_in_dim3A_41 : vector<1x64xf32> to vector<4x64xf32>
    %broadcast_in_dim3A_43 = vector.broadcast %jit3A : f32 to vector<4x64xf32>
    %select_n3A = arith.select %broadcast_in_dim3A_40, %broadcast_in_dim3A_42, %broadcast_in_dim3A_43 : vector<4x64xi1>, vector<4x64xf32>
    %add3A = arith.addf %get3A_38, %select_n3A : vector<4x64xf32>
    %swap3A = arith.constant 0 : index
    %swap3A_44 = arith.constant 0 : index
    %swap3A_45 = vector.load %arg5[%swap3A, %swap3A_44] : memref<4x64xf32, #tpu.memory_space<vmem>>, vector<4x64xf32>
    tpu.vector_store %arg5[%swap3A, %swap3A_44], %add3A {strides = array<i32>} : memref<4x64xf32, #tpu.memory_space<vmem>>, vector<4x64xf32>,
    %eq3A_46 = arith.constant 3 : i32
    %eq3A_47 = arith.cmpi eq, %arg0, %eq3A_46 : i32
    %eq3A_48 = arith.constant 0 : i32
    %eq3A_49 = arith.cmpi eq, %arg1, %eq3A_48 : i32
    %and3A_50 = arith.andi %eq3A_47, %eq3A_49 : i1
    %convert_element_type3A_51 = arith.extui %and3A_50 : i1 to i32
    %cond3A_52 = arith.constant 0 : i32
    %cond3A_53 = arith.cmpi ne, %convert_element_type3A_51, %cond3A_52 : i32
    scf.if %cond3A_53 {
      %get3A_54 = arith.constant 0 : index
      %get3A_55 = arith.constant 0 : index
      %get3A_56 = vector.load %arg5[%get3A_54, %get3A_55] : memref<4x64xf32, #tpu.memory_space<vmem>>, vector<4x64xf32>
      %reduce_max3A_57 = arith.constant dense<0xFF800000> : vector<4xf32>
      %reduce_max3A_58 = vector.multi_reduction <maximumf>, %get3A_56, %reduce_max3A_57 [1] : vector<4x64xf32> to vector<4xf32>
      %broadcast_in_dim3A_59 = vector.shape_cast %reduce_max3A_58 : vector<4xf32> to vector<4x1xf32>
      %sub3A_60 = vector.broadcast %broadcast_in_dim3A_59 : vector<4x1xf32> to vector<4x64xf32>
      %sub3A_61 = arith.subf %get3A_56, %sub3A_60 : vector<4x64xf32>
      %exp3A_62 = math.exp %sub3A_61 : vector<4x64xf32>
      %reduce_sum3A_63 = arith.constant dense<0.000000e+00> : vector<4xf32>
      %reduce_sum3A_64 = vector.multi_reduction <add>, %exp3A_62, %reduce_sum3A_63 [1] : vector<4x64xf32> to vector<4xf32>
      %broadcast_in_dim3A_65 = vector.shape_cast %reduce_sum3A_64 : vector<4xf32> to vector<4x1xf32>
      %div3A_66 = vector.broadcast %broadcast_in_dim3A_65 : vector<4x1xf32> to vector<4x64xf32>
      %div3A_67 = arith.divf %exp3A_62, %div3A_66 : vector<4x64xf32>
      %iota3A_68 = tpu.iota {dimensions = array<i32: 1>} : vector<4x64xi32>
      %iota3A_69 = tpu.iota {dimensions = array<i32: 1>} : vector<4x8xi32>
      %broadcast_in_dim3A_70 = arith.constant 0 : i32
      %broadcast_in_dim3A_71 = vector.broadcast %broadcast_in_dim3A_70 : i32 to vector<4x8xi32>
      %reduce_max3A_72 = arith.constant dense<0xFF800000> : vector<4xf32>
      %reduce_max3A_73 = vector.multi_reduction <maximumf>, %div3A_67, %reduce_max3A_72 [1] : vector<4x64xf32> to vector<4xf32>
      %broadcast_in_dim3A_74 = vector.shape_cast %reduce_max3A_73 : vector<4xf32> to vector<4x1xf32>
      %eq3A_75 = vector.broadcast %broadcast_in_dim3A_74 : vector<4x1xf32> to vector<4x64xf32>
      %eq3A_76 = arith.cmpf oeq, %div3A_67, %eq3A_75 : vector<4x64xf32>
      %jit3A_77 = arith.constant 64 : i32
      %broadcast_in_dim3A_78 = vector.broadcast %jit3A_77 : i32 to vector<4x64xi32>
      %select_n3A_79 = arith.select %eq3A_76, %iota3A_68, %broadcast_in_dim3A_78 : vector<4x64xi1>, vector<4x64xi32>
      %reduce_min3A = arith.constant dense<2147483647> : vector<4xi32>
      %reduce_min3A_80 = vector.multi_reduction <minsi>, %select_n3A_79, %reduce_min3A [1] : vector<4x64xi32> to vector<4xi32>
      %broadcast_in_dim3A_81 = vector.shape_cast %reduce_min3A_80 : vector<4xi32> to vector<4x1xi32>
      %eq3A_82 = arith.constant 0 : i32
      %eq3A_83 = vector.broadcast %eq3A_82 : i32 to vector<4x8xi32>
      %eq3A_84 = arith.cmpi eq, %iota3A_69, %eq3A_83 : vector<4x8xi32>
      %broadcast_in_dim3A_85 = vector.shape_cast %broadcast_in_dim3A_81 : vector<4x1xi32> to vector<4x1xi32>
      %broadcast_in_dim3A_86 = vector.broadcast %broadcast_in_dim3A_85 : vector<4x1xi32> to vector<4x8xi32>
      %select_n3A_87 = arith.select %eq3A_84, %broadcast_in_dim3A_86, %broadcast_in_dim3A_71 : vector<4x8xi1>, vector<4x8xi32>
      %eq3A_88 = vector.broadcast %broadcast_in_dim3A_81 : vector<4x1xi32> to vector<4x64xi32>
      %eq3A_89 = arith.cmpi eq, %iota3A_68, %eq3A_88 : vector<4x64xi32>
      %jit3A_90 = arith.constant -1.000000e+00 : f32
      %broadcast_in_dim3A_91 = vector.broadcast %jit3A_90 : f32 to vector<4x64xf32>
      %select_n3A_92 = arith.select %eq3A_89, %broadcast_in_dim3A_91, %div3A_67 : vector<4x64xi1>, vector<4x64xf32>
      %reduce_max3A_93 = arith.constant dense<0xFF800000> : vector<4xf32>
      %reduce_max3A_94 = vector.multi_reduction <maximumf>, %select_n3A_92, %reduce_max3A_93 [1] : vector<4x64xf32> to vector<4xf32>
      %broadcast_in_dim3A_95 = vector.shape_cast %reduce_max3A_94 : vector<4xf32> to vector<4x1xf32>
      %eq3A_96 = vector.broadcast %broadcast_in_dim3A_95 : vector<4x1xf32> to vector<4x64xf32>
      %eq3A_97 = arith.cmpf oeq, %select_n3A_92, %eq3A_96 : vector<4x64xf32>
      %jit3A_98 = arith.constant 64 : i32
      %broadcast_in_dim3A_99 = vector.broadcast %jit3A_98 : i32 to vector<4x64xi32>
      %select_n3A_100 = arith.select %eq3A_97, %iota3A_68, %broadcast_in_dim3A_99 : vector<4x64xi1>, vector<4x64xi32>
      %reduce_min3A_101 = arith.constant dense<2147483647> : vector<4xi32>
      %reduce_min3A_102 = vector.multi_reduction <minsi>, %select_n3A_100, %reduce_min3A_101 [1] : vector<4x64xi32> to vector<4xi32>
      %broadcast_in_dim3A_103 = vector.shape_cast %reduce_min3A_102 : vector<4xi32> to vector<4x1xi32>
      %eq3A_104 = arith.constant 1 : i32
      %eq3A_105 = vector.broadcast %eq3A_104 : i32 to vector<4x8xi32>
      %eq3A_106 = arith.cmpi eq, %iota3A_69, %eq3A_105 : vector<4x8xi32>
      %broadcast_in_dim3A_107 = vector.shape_cast %broadcast_in_dim3A_103 : vector<4x1xi32> to vector<4x1xi32>
      %broadcast_in_dim3A_108 = vector.broadcast %broadcast_in_dim3A_107 : vector<4x1xi32> to vector<4x8xi32>
      %select_n3A_109 = arith.select %eq3A_106, %broadcast_in_dim3A_108, %select_n3A_87 : vector<4x8xi1>, vector<4x8xi32>
      %eq3A_110 = vector.broadcast %broadcast_in_dim3A_103 : vector<4x1xi32> to vector<4x64xi32>
      %eq3A_111 = arith.cmpi eq, %iota3A_68, %eq3A_110 : vector<4x64xi32>
      %jit3A_112 = arith.constant -1.000000e+00 : f32
      %broadcast_in_dim3A_113 = vector.broadcast %jit3A_112 : f32 to vector<4x64xf32>
      %select_n3A_114 = arith.select %eq3A_111, %broadcast_in_dim3A_113, %select_n3A_92 : vector<4x64xi1>, vector<4x64xf32>
      %reduce_max3A_115 = arith.constant dense<0xFF800000> : vector<4xf32>
      %reduce_max3A_116 = vector.multi_reduction <maximumf>, %select_n3A_114, %reduce_max3A_115 [1] : vector<4x64xf32> to vector<4xf32>
      %broadcast_in_dim3A_117 = vector.shape_cast %reduce_max3A_116 : vector<4xf32> to vector<4x1xf32>
      %eq3A_118 = vector.broadcast %broadcast_in_dim3A_117 : vector<4x1xf32> to vector<4x64xf32>
      %eq3A_119 = arith.cmpf oeq, %select_n3A_114, %eq3A_118 : vector<4x64xf32>
      %jit3A_120 = arith.constant 64 : i32
      %broadcast_in_dim3A_121 = vector.broadcast %jit3A_120 : i32 to vector<4x64xi32>
      %select_n3A_122 = arith.select %eq3A_119, %iota3A_68, %broadcast_in_dim3A_121 : vector<4x64xi1>, vector<4x64xi32>
      %reduce_min3A_123 = arith.constant dense<2147483647> : vector<4xi32>
      %reduce_min3A_124 = vector.multi_reduction <minsi>, %select_n3A_122, %reduce_min3A_123 [1] : vector<4x64xi32> to vector<4xi32>
      %broadcast_in_dim3A_125 = vector.shape_cast %reduce_min3A_124 : vector<4xi32> to vector<4x1xi32>
      %eq3A_126 = arith.constant 2 : i32
      %eq3A_127 = vector.broadcast %eq3A_126 : i32 to vector<4x8xi32>
      %eq3A_128 = arith.cmpi eq, %iota3A_69, %eq3A_127 : vector<4x8xi32>
      %broadcast_in_dim3A_129 = vector.shape_cast %broadcast_in_dim3A_125 : vector<4x1xi32> to vector<4x1xi32>
      %broadcast_in_dim3A_130 = vector.broadcast %broadcast_in_dim3A_129 : vector<4x1xi32> to vector<4x8xi32>
      %select_n3A_131 = arith.select %eq3A_128, %broadcast_in_dim3A_130, %select_n3A_109 : vector<4x8xi1>, vector<4x8xi32>
      %eq3A_132 = vector.broadcast %broadcast_in_dim3A_125 : vector<4x1xi32> to vector<4x64xi32>
      %eq3A_133 = arith.cmpi eq, %iota3A_68, %eq3A_132 : vector<4x64xi32>
      %jit3A_134 = arith.constant -1.000000e+00 : f32
      %broadcast_in_dim3A_135 = vector.broadcast %jit3A_134 : f32 to vector<4x64xf32>
      %select_n3A_136 = arith.select %eq3A_133, %broadcast_in_dim3A_135, %select_n3A_114 : vector<4x64xi1>, vector<4x64xf32>
      %reduce_max3A_137 = arith.constant dense<0xFF800000> : vector<4xf32>
      %reduce_max3A_138 = vector.multi_reduction <maximumf>, %select_n3A_136, %reduce_max3A_137 [1] : vector<4x64xf32> to vector<4xf32>
      %broadcast_in_dim3A_139 = vector.shape_cast %reduce_max3A_138 : vector<4xf32> to vector<4x1xf32>
      %eq3A_140 = vector.broadcast %broadcast_in_dim3A_139 : vector<4x1xf32> to vector<4x64xf32>
      %eq3A_141 = arith.cmpf oeq, %select_n3A_136, %eq3A_140 : vector<4x64xf32>
      %jit3A_142 = arith.constant 64 : i32
      %broadcast_in_dim3A_143 = vector.broadcast %jit3A_142 : i32 to vector<4x64xi32>
      %select_n3A_144 = arith.select %eq3A_141, %iota3A_68, %broadcast_in_dim3A_143 : vector<4x64xi1>, vector<4x64xi32>
      %reduce_min3A_145 = arith.constant dense<2147483647> : vector<4xi32>
      %reduce_min3A_146 = vector.multi_reduction <minsi>, %select_n3A_144, %reduce_min3A_145 [1] : vector<4x64xi32> to vector<4xi32>
      %broadcast_in_dim3A_147 = vector.shape_cast %reduce_min3A_146 : vector<4xi32> to vector<4x1xi32>
      %eq3A_148 = arith.constant 3 : i32
      %eq3A_149 = vector.broadcast %eq3A_148 : i32 to vector<4x8xi32>
      %eq3A_150 = arith.cmpi eq, %iota3A_69, %eq3A_149 : vector<4x8xi32>
      %broadcast_in_dim3A_151 = vector.shape_cast %broadcast_in_dim3A_147 : vector<4x1xi32> to vector<4x1xi32>
      %broadcast_in_dim3A_152 = vector.broadcast %broadcast_in_dim3A_151 : vector<4x1xi32> to vector<4x8xi32>
      %select_n3A_153 = arith.select %eq3A_150, %broadcast_in_dim3A_152, %select_n3A_131 : vector<4x8xi1>, vector<4x8xi32>
      %eq3A_154 = vector.broadcast %broadcast_in_dim3A_147 : vector<4x1xi32> to vector<4x64xi32>
      %eq3A_155 = arith.cmpi eq, %iota3A_68, %eq3A_154 : vector<4x64xi32>
      %jit3A_156 = arith.constant -1.000000e+00 : f32
      %broadcast_in_dim3A_157 = vector.broadcast %jit3A_156 : f32 to vector<4x64xf32>
      %select_n3A_158 = arith.select %eq3A_155, %broadcast_in_dim3A_157, %select_n3A_136 : vector<4x64xi1>, vector<4x64xf32>
      %reduce_max3A_159 = arith.constant dense<0xFF800000> : vector<4xf32>
      %reduce_max3A_160 = vector.multi_reduction <maximumf>, %select_n3A_158, %reduce_max3A_159 [1] : vector<4x64xf32> to vector<4xf32>
      %broadcast_in_dim3A_161 = vector.shape_cast %reduce_max3A_160 : vector<4xf32> to vector<4x1xf32>
      %eq3A_162 = vector.broadcast %broadcast_in_dim3A_161 : vector<4x1xf32> to vector<4x64xf32>
      %eq3A_163 = arith.cmpf oeq, %select_n3A_158, %eq3A_162 : vector<4x64xf32>
      %jit3A_164 = arith.constant 64 : i32
      %broadcast_in_dim3A_165 = vector.broadcast %jit3A_164 : i32 to vector<4x64xi32>
      %select_n3A_166 = arith.select %eq3A_163, %iota3A_68, %broadcast_in_dim3A_165 : vector<4x64xi1>, vector<4x64xi32>
      %reduce_min3A_167 = arith.constant dense<2147483647> : vector<4xi32>
      %reduce_min3A_168 = vector.multi_reduction <minsi>, %select_n3A_166, %reduce_min3A_167 [1] : vector<4x64xi32> to vector<4xi32>
      %broadcast_in_dim3A_169 = vector.shape_cast %reduce_min3A_168 : vector<4xi32> to vector<4x1xi32>
      %eq3A_170 = arith.constant 4 : i32
      %eq3A_171 = vector.broadcast %eq3A_170 : i32 to vector<4x8xi32>
      %eq3A_172 = arith.cmpi eq, %iota3A_69, %eq3A_171 : vector<4x8xi32>
      %broadcast_in_dim3A_173 = vector.shape_cast %broadcast_in_dim3A_169 : vector<4x1xi32> to vector<4x1xi32>
      %broadcast_in_dim3A_174 = vector.broadcast %broadcast_in_dim3A_173 : vector<4x1xi32> to vector<4x8xi32>
      %select_n3A_175 = arith.select %eq3A_172, %broadcast_in_dim3A_174, %select_n3A_153 : vector<4x8xi1>, vector<4x8xi32>
      %eq3A_176 = vector.broadcast %broadcast_in_dim3A_169 : vector<4x1xi32> to vector<4x64xi32>
      %eq3A_177 = arith.cmpi eq, %iota3A_68, %eq3A_176 : vector<4x64xi32>
      %jit3A_178 = arith.constant -1.000000e+00 : f32
      %broadcast_in_dim3A_179 = vector.broadcast %jit3A_178 : f32 to vector<4x64xf32>
      %select_n3A_180 = arith.select %eq3A_177, %broadcast_in_dim3A_179, %select_n3A_158 : vector<4x64xi1>, vector<4x64xf32>
      %reduce_max3A_181 = arith.constant dense<0xFF800000> : vector<4xf32>
      %reduce_max3A_182 = vector.multi_reduction <maximumf>, %select_n3A_180, %reduce_max3A_181 [1] : vector<4x64xf32> to vector<4xf32>
      %broadcast_in_dim3A_183 = vector.shape_cast %reduce_max3A_182 : vector<4xf32> to vector<4x1xf32>
      %eq3A_184 = vector.broadcast %broadcast_in_dim3A_183 : vector<4x1xf32> to vector<4x64xf32>
      %eq3A_185 = arith.cmpf oeq, %select_n3A_180, %eq3A_184 : vector<4x64xf32>
      %jit3A_186 = arith.constant 64 : i32
      %broadcast_in_dim3A_187 = vector.broadcast %jit3A_186 : i32 to vector<4x64xi32>
      %select_n3A_188 = arith.select %eq3A_185, %iota3A_68, %broadcast_in_dim3A_187 : vector<4x64xi1>, vector<4x64xi32>
      %reduce_min3A_189 = arith.constant dense<2147483647> : vector<4xi32>
      %reduce_min3A_190 = vector.multi_reduction <minsi>, %select_n3A_188, %reduce_min3A_189 [1] : vector<4x64xi32> to vector<4xi32>
      %broadcast_in_dim3A_191 = vector.shape_cast %reduce_min3A_190 : vector<4xi32> to vector<4x1xi32>
      %eq3A_192 = arith.constant 5 : i32
      %eq3A_193 = vector.broadcast %eq3A_192 : i32 to vector<4x8xi32>
      %eq3A_194 = arith.cmpi eq, %iota3A_69, %eq3A_193 : vector<4x8xi32>
      %broadcast_in_dim3A_195 = vector.shape_cast %broadcast_in_dim3A_191 : vector<4x1xi32> to vector<4x1xi32>
      %broadcast_in_dim3A_196 = vector.broadcast %broadcast_in_dim3A_195 : vector<4x1xi32> to vector<4x8xi32>
      %select_n3A_197 = arith.select %eq3A_194, %broadcast_in_dim3A_196, %select_n3A_175 : vector<4x8xi1>, vector<4x8xi32>
      %eq3A_198 = vector.broadcast %broadcast_in_dim3A_191 : vector<4x1xi32> to vector<4x64xi32>
      %eq3A_199 = arith.cmpi eq, %iota3A_68, %eq3A_198 : vector<4x64xi32>
      %jit3A_200 = arith.constant -1.000000e+00 : f32
      %broadcast_in_dim3A_201 = vector.broadcast %jit3A_200 : f32 to vector<4x64xf32>
      %select_n3A_202 = arith.select %eq3A_199, %broadcast_in_dim3A_201, %select_n3A_180 : vector<4x64xi1>, vector<4x64xf32>
      %reduce_max3A_203 = arith.constant dense<0xFF800000> : vector<4xf32>
      %reduce_max3A_204 = vector.multi_reduction <maximumf>, %select_n3A_202, %reduce_max3A_203 [1] : vector<4x64xf32> to vector<4xf32>
      %broadcast_in_dim3A_205 = vector.shape_cast %reduce_max3A_204 : vector<4xf32> to vector<4x1xf32>
      %eq3A_206 = vector.broadcast %broadcast_in_dim3A_205 : vector<4x1xf32> to vector<4x64xf32>
      %eq3A_207 = arith.cmpf oeq, %select_n3A_202, %eq3A_206 : vector<4x64xf32>
      %jit3A_208 = arith.constant 64 : i32
      %broadcast_in_dim3A_209 = vector.broadcast %jit3A_208 : i32 to vector<4x64xi32>
      %select_n3A_210 = arith.select %eq3A_207, %iota3A_68, %broadcast_in_dim3A_209 : vector<4x64xi1>, vector<4x64xi32>
      %reduce_min3A_211 = arith.constant dense<2147483647> : vector<4xi32>
      %reduce_min3A_212 = vector.multi_reduction <minsi>, %select_n3A_210, %reduce_min3A_211 [1] : vector<4x64xi32> to vector<4xi32>
      %broadcast_in_dim3A_213 = vector.shape_cast %reduce_min3A_212 : vector<4xi32> to vector<4x1xi32>
      %eq3A_214 = arith.constant 6 : i32
      %eq3A_215 = vector.broadcast %eq3A_214 : i32 to vector<4x8xi32>
      %eq3A_216 = arith.cmpi eq, %iota3A_69, %eq3A_215 : vector<4x8xi32>
      %broadcast_in_dim3A_217 = vector.shape_cast %broadcast_in_dim3A_213 : vector<4x1xi32> to vector<4x1xi32>
      %broadcast_in_dim3A_218 = vector.broadcast %broadcast_in_dim3A_217 : vector<4x1xi32> to vector<4x8xi32>
      %select_n3A_219 = arith.select %eq3A_216, %broadcast_in_dim3A_218, %select_n3A_197 : vector<4x8xi1>, vector<4x8xi32>
      %eq3A_220 = vector.broadcast %broadcast_in_dim3A_213 : vector<4x1xi32> to vector<4x64xi32>
      %eq3A_221 = arith.cmpi eq, %iota3A_68, %eq3A_220 : vector<4x64xi32>
      %jit3A_222 = arith.constant -1.000000e+00 : f32
      %broadcast_in_dim3A_223 = vector.broadcast %jit3A_222 : f32 to vector<4x64xf32>
      %select_n3A_224 = arith.select %eq3A_221, %broadcast_in_dim3A_223, %select_n3A_202 : vector<4x64xi1>, vector<4x64xf32>
      %reduce_max3A_225 = arith.constant dense<0xFF800000> : vector<4xf32>
      %reduce_max3A_226 = vector.multi_reduction <maximumf>, %select_n3A_224, %reduce_max3A_225 [1] : vector<4x64xf32> to vector<4xf32>
      %broadcast_in_dim3A_227 = vector.shape_cast %reduce_max3A_226 : vector<4xf32> to vector<4x1xf32>
      %eq3A_228 = vector.broadcast %broadcast_in_dim3A_227 : vector<4x1xf32> to vector<4x64xf32>
      %eq3A_229 = arith.cmpf oeq, %select_n3A_224, %eq3A_228 : vector<4x64xf32>
      %jit3A_230 = arith.constant 64 : i32
      %broadcast_in_dim3A_231 = vector.broadcast %jit3A_230 : i32 to vector<4x64xi32>
      %select_n3A_232 = arith.select %eq3A_229, %iota3A_68, %broadcast_in_dim3A_231 : vector<4x64xi1>, vector<4x64xi32>
      %reduce_min3A_233 = arith.constant dense<2147483647> : vector<4xi32>
      %reduce_min3A_234 = vector.multi_reduction <minsi>, %select_n3A_232, %reduce_min3A_233 [1] : vector<4x64xi32> to vector<4xi32>
      %broadcast_in_dim3A_235 = vector.shape_cast %reduce_min3A_234 : vector<4xi32> to vector<4x1xi32>
      %eq3A_236 = arith.constant 7 : i32
      %eq3A_237 = vector.broadcast %eq3A_236 : i32 to vector<4x8xi32>
      %eq3A_238 = arith.cmpi eq, %iota3A_69, %eq3A_237 : vector<4x8xi32>
      %broadcast_in_dim3A_239 = vector.shape_cast %broadcast_in_dim3A_235 : vector<4x1xi32> to vector<4x1xi32>
      %broadcast_in_dim3A_240 = vector.broadcast %broadcast_in_dim3A_239 : vector<4x1xi32> to vector<4x8xi32>
      %select_n3A_241 = arith.select %eq3A_238, %broadcast_in_dim3A_240, %select_n3A_219 : vector<4x8xi1>, vector<4x8xi32>
      %swap3A_242 = arith.constant 0 : index
      %swap3A_243 = arith.constant 0 : index
      %swap3A_244 = vector.load %arg4[%swap3A_242, %swap3A_243] : memref<4x8xi32, #tpu.memory_space<vmem>>, vector<4x8xi32>
      tpu.vector_store %arg4[%swap3A_242, %swap3A_243], %select_n3A_241 {strides = array<i32>} : memref<4x8xi32, #tpu.memory_space<vmem>>, vector<4x8xi32>,
    } else {
    }
    return
  }
  func.func @transform_0(%arg0: i32, %arg1: i32) -> (i32, i32, i32) {
    %c0_i32 = arith.constant 0 : i32
    %c0_i32_0 = arith.constant 0 : i32
    return %arg0, %arg1, %c0_i32 : i32, i32, i32
  }
  func.func @transform_1(%arg0: i32, %arg1: i32) -> (i32, i32) {
    %c0_i32 = arith.constant 0 : i32
    %c0_i32_0 = arith.constant 0 : i32
    %c0_i32_1 = arith.constant 0 : i32
    return %c0_i32, %c0_i32_0 : i32, i32
  }
  func.func @transform_2(%arg0: i32, %arg1: i32) -> (i32, i32) {
    %c0_i32 = arith.constant 0 : i32
    %c0_i32_0 = arith.constant 0 : i32
    %c0_i32_1 = arith.constant 0 : i32
    return %c0_i32, %c0_i32_0 : i32, i32
  }
}

</mosaic_0001>

<sc_bundles>
// kernel: _run.4.cloned.1.call-start
scs
__scs_entry_jumppad:
0x0: {  	(pc) =	sbr.rel $0x88, $3  }
0x1: {  	(tag) =	ssettag $0x0;
	lr =	simm.s32 $0x1  }
0x2: {  	[smem:$0x3F9D] =	sst lr;
	_ =	strace $0xD0000000  }
0x3: {  	_ = 	snop  }
0x4: {  	_ = 	snop  }
0x5: {  	_ = 	snop  }
0x6: {  	_ = 	snop  }
0x7: {  	_ = 	snop  }
__scs_overlays_trampoline_lowered:
0x8: {  	[smem:$0x3FAC] =	sst s0  }
0x9: {  	[smem:$0x3FAD] =	sst s1  }
0xa: {  	[smem:$0x3FAE] =	sst s2  }
0xb: {  	[smem:$0x3FAF] =	sst s3  }
0xc: {  	[smem:$0x3FB0] =	sst s4  }
0xd: {  	[smem:$0x3FB1] =	sst s5  }
0xe: {  	[smem:$0x3FB2] =	sst s6  }
0xf: {  	[smem:$0x3FB3] =	sst s7  }
0x10: {  	[smem:$0x3FB4] =	sst s8  }
0x11: {  	[smem:$0x3FB5] =	sst s9;
	s0 =	simm.s32 @!p0 $0x0  }
0x12: {  	s1 =	sld [smem:$0x3F9B];
	s0 =	simm.s32 @p0 $0x1  }
0x13: {  	[smem:$0x3FB6] =	sst s0;
	s0 =	simm.s32 @!p1 $0x0  }
0x14: {  	s2 =	sld [smem:$0x3F9A];
	s0 =	simm.s32 @p1 $0x1  }
0x15: {  	[smem:$0x3FB7] =	sst s0;
	s0 =	simm.s32 @!p2 $0x0  }
0x16: {  	s3 =	sld [smem:$0x3FDB];
	s0 =	simm.s32 @p2 $0x1  }
0x17: {  	s4 =	simm.s32 $0x1BF5;
	[smem:$0x3FB9] =	sst s0  }
0x18: {  	s0 =	sld [smem:$0x3F9C];
	_ =	swait.ge [sflag:s4], $0x0  }
0x19: {  	s7 =	sld [smem:$0x3F9D]  }
0x1a: {  	s8 =	sadd.s32 $0xFFFFE003, lr  }
0x1b: {  	s9 =	sadd.s32 $0xFFFFFEF7, lr;
	s5 =	simm.s32 $0xFFFFFFFF;
	p2 =	slt.u32 s8, $0xFFFFF086  }
0x1c: {  	p1 =	slt.u32 s9, $0xF7A;
	s5 =	simm.s32 @!p2 $0x0  }
0x1d: {  	s5 =	simm.s32 @p1 $0x1;
	p0 =	seq.s32 s7, s2  }
0x1e: {  	s7 =	smul.u32 @!p0 $0xF7A, s2;
	p2 =	seq.s32 @!p0 s5, $0x0  }
0x1f: {  	s9 =	smul.u32 $0xF7A, s1;
	s8 =	simm.s32 @!p0 $0x1BF5;
	p2 =	por !p2, p0  }
0x20: {  	[sflag:s8] =	ssyncset.s32 @!p0 $0xFFFFF086;
	s6 =	sadd.s32 @!p0 s3, s7;
	s7 =	simm.s32 @!p0 $0x108  }
0x21: {  	s3 =	sadd.s32 s3, s9;
	s6 =	sadd.s32 @!p0 $0x88, s6;
	s7 =	simm.s32 @p2 $0x1082  }
0x22: {  	[simem:s7], [sflag:s8] =	dma.local @!p0 [hbm:s6], $0xF7A  }
0x23: {  	s9 =	sor.u32 $0xD0000000, s2;
	s6 =	simm.s32 $0x108;
	_ =	swait.ge @!p0 [sflag:s8], $0x0  }
0x24: {  	s3 =	sadd.s32 $0x88, s3;
	s6 =	simm.s32 @!p1 $0x1082;
	[sflag:s4] =	ssyncset.s32 $0xFFFFF086  }
0x25: {  	[simem:s6], [sflag:s4] =	dma.local [hbm:s3], $0xF7A  }
0x26: {  	[smem:$0x3F9D] =	sst s1;
	(tag) =	ssettag s2;
	_ =	strace s9  }
0x27: {  	s1 =	sld [smem:$0x3FAD]  }
0x28: {  	s2 =	sld [smem:$0x3FAE]  }
0x29: {  	s4 =	sld [smem:$0x3FB0]  }
0x2a: {  	p0 =	seq.s32 s5, $0x0;
	s5 =	sld [smem:$0x3FB1]  }
0x2b: {  	s6 =	sld [smem:$0x3FB2]  }
0x2c: {  	s7 =	sld [smem:$0x3FB3]  }
0x2d: {  	s3 =	simm.s32 $0x108;
	s8 =	sld [smem:$0x3FB4]  }
0x2e: {  	s3 =	simm.s32 @!p0 $0x1082;
	s9 =	sld [smem:$0x3FB5]  }
0x2f: {  	lr =	sadd.s32 s0, s3;
	s0 =	sld [smem:$0x3FAC]  }
0x30: {  	s3 =	sld [smem:$0x3FAF]  }
0x31: {  	[smem:$0x3FB8] =	sst s10  }
0x32: {  	s10 =	sld [smem:$0x3FB6];
	_ =	sdelay $0x3  }
0x33: {  	p0 =	seq.s32 s10, $0x1;
	s10 =	sld [smem:$0x3FB8];
	_ =	sdelay $0x3  }
0x34: {  	[smem:$0x3FB8] =	sst s10  }
0x35: {  	s10 =	sld [smem:$0x3FB7];
	_ =	sdelay $0x3  }
0x36: {  	p1 =	seq.s32 s10, $0x1;
	s10 =	sld [smem:$0x3FB8];
	_ =	sdelay $0x3  }
0x37: {  	[smem:$0x3FB8] =	sst s10  }
0x38: {  	s10 =	sld [smem:$0x3FB9]  }
0x39: {  	_ = 	snop;
	(pc) =	sbr.ind lr, $3  }
0x3a: {  	_ = 	snop  }
0x3b: {  	_ = 	snop  }
0x3c: {  	p2 =	seq.s32 s10, $0x1;
	s10 =	sld [smem:$0x3FB8]  }
0x3d: {  	_ =	shalt  }
0x3e: {  	_ =	shalt  }
0x3f: {  	_ =	shalt  }
0x40: {  	_ =	shalt  }
0x41: {  	_ =	shalt  }
0x42: {  	_ =	shalt  }
0x43: {  	_ =	shalt  }
0x44: {  	_ =	shalt  }
0x45: {  	_ =	shalt  }
0x46: {  	_ =	shalt  }
0x47: {  	_ =	shalt  }
0x48: {  	_ =	shalt  }
0x49: {  	_ =	shalt  }
0x4a: {  	_ =	shalt  }
0x4b: {  	_ =	shalt  }
0x4c: {  	_ =	shalt  }
0x4d: {  	_ =	shalt  }
0x4e: {  	_ =	shalt  }
0x4f: {  	_ =	shalt  }
0x50: {  	_ =	shalt  }
0x51: {  	_ =	shalt  }
0x52: {  	_ =	shalt  }
0x53: {  	_ =	shalt  }
0x54: {  	_ =	shalt  }
0x55: {  	_ =	shalt  }
0x56: {  	_ =	shalt  }
0x57: {  	_ =	shalt  }
0x58: {  	_ =	shalt  }
0x59: {  	_ =	shalt  }
0x5a: {  	_ =	shalt  }
0x5b: {  	_ =	shalt  }
0x5c: {  	_ =	shalt  }
0x5d: {  	_ =	shalt  }
0x5e: {  	_ =	shalt  }
0x5f: {  	_ =	shalt  }
0x60: {  	_ =	shalt  }
0x61: {  	_ =	shalt  }
0x62: {  	_ =	shalt  }
0x63: {  	_ =	shalt  }
0x64: {  	_ =	shalt  }
0x65: {  	_ =	shalt  }
0x66: {  	_ =	shalt  }
0x67: {  	_ =	shalt  }
0x68: {  	_ =	shalt  }
0x69: {  	_ =	shalt  }
0x6a: {  	_ =	shalt  }
0x6b: {  	_ =	shalt  }
0x6c: {  	_ =	shalt  }
0x6d: {  	_ =	shalt  }
0x6e: {  	_ =	shalt  }
0x6f: {  	_ =	shalt  }
0x70: {  	_ =	shalt  }
0x71: {  	_ =	shalt  }
0x72: {  	_ =	shalt  }
0x73: {  	_ =	shalt  }
0x74: {  	_ =	shalt  }
0x75: {  	_ =	shalt  }
0x76: {  	_ =	shalt  }
0x77: {  	_ =	shalt  }
0x78: {  	_ =	shalt  }
0x79: {  	_ =	shalt  }
0x7a: {  	_ =	shalt  }
0x7b: {  	_ =	shalt  }
0x7c: {  	_ =	shalt  }
0x7d: {  	_ =	shalt  }
0x7e: {  	_ =	shalt  }
0x7f: {  	_ =	shalt  }
0x80: {  	_ =	shalt  }
0x81: {  	_ =	shalt  }
0x82: {  	_ =	shalt  }
0x83: {  	_ =	shalt  }
0x84: {  	_ =	shalt  }
0x85: {  	_ =	shalt  }
0x86: {  	_ =	shalt  }
0x87: {  	_ =	shalt  }
.Lfunc_end0:
.L_simem_size_0:
called_computation_lowered:
.L_overlay_start_0:
0x88: {  	s2 =	sld [smem:$0x3FD9]  }
0x89: {  	s3 =	sld [smem:$0x3FFE];
	_ =	sdelay $0x1  }
0x8a: {  	s1 =	srdreg.scid  }
0x8b: {  	s0 =	sand.u32 $0x1, s1  }
0x8c: {  	s17 =	sshll.u32 s0, $0xA;
	s2 =	sadd.s32 s3, s2  }
0x8d: {  	s2 =	sadd.s32 s2, s17  }
0x8e: {  	[smem:$0x3FC4] =	sst s2  }
0x8f: {  	_ = 	snop  }
0x90: {  	s2 =	sld [smem:$0x3FC8]  }
0x91: {  	s18 =	sld [smem:$0x3FC7]  }
0x92: {  	s4 =	sld [smem:$0x3FC6]  }
0x93: {  	s5 =	sld [smem:$0x3FD0];
	(tm) =	ssettm $0x1  }
0x94: {  	s6 =	sld [smem:$0x3FFB];
	_ =	sdelay $0x3  }
0x95: {  	_ =	strace s6  }
0x96: {  	s6 =	sld [smem:$0x3FFC];
	_ =	sdelay $0x3  }
0x97: {  	_ =	strace s6  }
0x98: {  	s6 =	sld [smem:$0x3FFD];
	_ =	sdelay $0x3  }
0x99: {  	_ =	strace s6  }
0x9a: {  	_ =	strace $0x8FFFFFFF  }
0x9b: {  	s19 =	sld [smem:$0x3FDB];
	_ =	sdelay $0x1  }
0x9c: {  	s7 =	simm.s32 $_scs_section_size  }
0x9d: {  	s8 =	simm.s32 $_size__tile_overlayer_lowered;
	s9 =	simm.s32 $_tile_overlayer_lowered  }
0x9e: {  	s22 =	simm.s32 $0x1BFF;
	s21 =	sshll.u32 s9, $0x1;
	s6 =	sadd.s32 s7, s19  }
0x9f: {  	s10 =	simm.s32 $0x0;
	s20 =	sshll.u32 s8, $0x1;
	s8 =	sadd.s32 s21, s6  }
0xa0: {  	[timem:s10], [sflag:s22] =	dma.local [hbm:s8], s20  }
0xa1: {  	_ =	swait.ge [sflag:s22], s20  }
0xa2: {  	s7 =	ssub.s32 $0x0, s20;
	[sflag:s22] =	ssyncset.done $0x0  }
0xa3: {  	[sflag:s22] =	ssyncadd.s32 s7;
	_ =	sdelay $0x1  }
0xa4: {  	s23 =	simm.s32 $0x1B8B  }
0xa5: {  	_ =	swait.ge [sflag:s23], $0x1  }
0xa6: {  	[sflag:s23] =	ssyncset.done $0x0  }
0xa7: {  	s25 =	simm.s32 $0x1B8E;
	s24 =	sld [smem:$0x3FFE];
	[sflag:s23] =	ssyncadd.s32 $0xFFFFFFFF  }
0xa8: {  	s26 =	simm.s32 $execute0_lowered;
	[smem:$0x3FD2] =	sst s25  }
0xa9: {  	s8 =	sshll.u32 s26, $0x1;
	_ =	strace $0x80000046;
	[dreg:$0x1] =	wrdreg $0xFFFFFFFF  }
0xaa: {  	s28 =	simm.s32 $_size_execute0_lowered;
	s6 =	sadd.s32 s6, s8;
	[dreg:$0x0] =	wrdreg $0x0  }
0xab: {  	s8 =	sshll.u32 s28, $0x1;
	[dreg:$0x2] =	wrdreg s6  }
0xac: {  	[dreg:$0x3] =	wrdreg s8  }
0xad: {  	[dreg:$0x4] =	wrdreg $0xC0  }
0xae: {  	_ =	task [dreg:s10], $0x5FFFF  }
0xaf: {  	[dreg:$0x1] =	wrdreg $0xFFFFFFFF  }
0xb0: {  	[dreg:$0x0] =	wrdreg $0x60  }
0xb1: {  	[dreg:$0x2] =	wrdreg s24  }
0xb2: {  	[dreg:$0x3] =	wrdreg s2  }
0xb3: {  	[dreg:$0x4] =	wrdreg s18  }
0xb4: {  	[dreg:$0x5] =	wrdreg s4  }
0xb5: {  	[dreg:$0x6] =	wrdreg s5  }
0xb6: {  	[dreg:$0x7] =	wrdreg $0x9  }
0xb7: {  	_ =	task.clear_ibuf [dreg:s10], $0x8FFFF;
	_ =	strace $0x90000046  }
0xb8: {  	s29 =	simm.s32 $0x9;
	_ =	strace $0x80000048  }
0xb9: {  	_ =	swait.ge [sflag:s29], $0x1  }
0xba: {  	[sflag:s29] =	ssyncadd.s32 $0xFFFFFFFF  }
0xbb: {  	_ =	strace $0x90000048  }
0xbc: {  	_ =	sfence  }
0xbd: {  	s30 =	sld [smem:$0x0];
	_ =	sdelay $0x2  }
0xbe: {  	s31 =	sshll.u32 s1, $0xD;
	s1 =	sshrl.u32 s1, $0x2  }
0xbf: {  	s3 =	sand.u32 $0x4000, s31;
	s1 =	sadd.s32 s1, s30  }
0xc0: {  	s0 =	sor.u32 s3, s0;
	s1 =	sshll.u32 s1, $0x11  }
0xc1: {  	s0 =	sor.u32 s1, s0  }
0xc2: {  	s0 =	sadd.s32 $0x8F2B, s0  }
0xc3: {  	[sflag:s0] =	ssyncadd.remote.s32 $0x1  }
0xc4: {  	_ =	sfence.sel $0xFFFF  }
0xc5: {  	[dreg:$0x0] =	wrdreg $0xFFFFFFFF;
	(pc) =	sbr.abs _section_cstart, $3  }
0xc6: {  	[dreg:$0x1] =	wrdreg $0xFFFFFFFF  }
0xc7: {  	_ =	task.clear_ibuf [dreg:s10], $0x2FFFF;
	_ =	strace $0x9FFFFFFF  }
0xc8: {  	(tm) =	ssettm $0x7FFFFFFF  }
0xc9: {  	_ =	shalt  }
tec
execute0_lowered:
.L_overlay_start_1:
0x0: {  	(tag) =	ssettag $0x1  }
0x1: {  	s6 =	stileid.u32  }
0x2: {  	s5 =	rddreg [dreg:$0x0];
	p0 =	sgt.u32 s6, $0x1  }
.Ltmp0:
0x3: {  	s1 =	rddreg [dreg:$0x1];
	(pc) =	sbr.rel @p0 .LBB2_19-.Ltmp0, $4  }
0x4: {  	s2 =	rddreg [dreg:$0x2]  }
0x5: {  	s0 =	rddreg [dreg:$0x3];
	s4 =	simm.s32 $0x0  }
0x6: {  	[smem:$0x7FF] =	sst s4  }
0x7: {  	s3 =	rddreg [dreg:$0x4];
	_ =	strace $0x80000047  }
0x8: {  	s6 =	srdreg.scid;
	s30 =	stileid.u32  }
0x9: {  	s13 =	sadd.s32 $0x600, s5;
	s5 =	sadd.s32 $0x100, s1;
	s7 =	sadd.s32 $0x300, s1  }
0xa: {  	s8 =	sadd.s32 $0x100, s2;
	s9 =	sadd.s32 $0x200, s2;
	s20 =	simm.s32 $0x1  }
0xb: {  	s28 =	simm.s32 $0x0;
	s10 =	sand.u32 $0x1, s6;
	s6 =	sshll.u32 s30, $0x1  }
0xc: {  	s14 =	sor.u32 s10, s6;
	s6 =	sadd.s32 $0x200, s1;
	s15 =	ssub.s32 $0x2, s10  }
0xd: {  	v0 =	vlaneseq.u32;
	s10 =	sadd.s32 $0x300, s2;
	s12 =	sshll.u32 s14, $0xA;
	s16 =	sshrl.u32 s15, $0x1  }
0xe: {  	v1 =	vshrl.u32 v0, $0x3;
	s13 =	sadd.s32 s13, s14;
	s11 =	sadd.s32 s0, s12;
	s31 =	ssub.s32 s15, s16  }
0xf: {  	vm0 =	vmmov $0xffff;
	v0 =	vand.u32 $0x7, v0;
	v1 =	vmul.u32 $0x8, v1;
	s12 =	sadd.s32 s3, s12;
	s15 =	simm.s32 $0x2;
	s14 =	smax.u32 s31, $0x1  }
.LBB2_2:
0x10: {  	s0 =	simm.s32 $0x0  }
0x11: {  	[tilespmem:s0], [sflag:$0x2] =	stream.linear.gather [hbm4b:s13+s0], $0x8, $0x38;
	[tilespmem:$0x8080] =	vst v63  }
0x12: {  	_ =	swait.ge [sflag:s15], $0x8  }
0x13: {  	[sflag:s15] =	ssyncset.done $0x0  }
0x14: {  	[sflag:s15] =	ssyncadd.s32 $0xFFFFFFF8  }
0x15: {  	v2 =	vld.msk [tilespmem:$0x0], $0xff;
	_ =	sdelay $0x4  }
0x16: {  	v3 =	vshll.u32 v2, $0x3  }
0x17: {  	v2 =	vand.u32 $0x7, v2;
	v3 =	vand.u32 $0xFFFFFFC0, v3  }
0x18: {  	v2 =	vor.u32 v2, v3  }
0x19: {  	v2 =	vperm.xlane v2, v0;
	_ =	sdelay $0x1  }
0x1a: {  	v2 =	vadd.s32 v1, v2;
	_ =	sdelay $0x3  }
0x1b: {  	s3 =	simm.s32 $0x80  }
0x1c: {  	[tilespmem:s3], [sflag:$0x1] =	stream.indirect_vreg.gather [hbm4b:s1+s0], $0x80, v2, vm0, $0xb8;
	[tilespmem:$0x8080] =	vst v63  }
0x1d: {  	s26 =	simm.s32 $0x880  }
0x1e: {  	[tilespmem:s26], [sflag:$0x1] =	stream.indirect_vreg.gather [hbm4b:s5+s0], $0x80, v2, vm0, $0xb8;
	[tilespmem:$0x8080] =	vst v63  }
0x1f: {  	s16 =	simm.s32 $0x1080  }
0x20: {  	[tilespmem:s16], [sflag:$0x1] =	stream.indirect_vreg.gather [hbm4b:s6+s0], $0x80, v2, vm0, $0xb8;
	[tilespmem:$0x8080] =	vst v63  }
0x21: {  	s17 =	simm.s32 $0x1880  }
0x22: {  	[tilespmem:s17], [sflag:$0x1] =	stream.indirect_vreg.gather [hbm4b:s7+s0], $0x80, v2, vm0, $0xb8;
	[tilespmem:$0x8080] =	vst v63  }
0x23: {  	_ =	swait.ge [sflag:s20], $0x2000  }
0x24: {  	[sflag:s20] =	ssyncset.done $0x0  }
0x25: {  	[sflag:s20] =	ssyncadd.s32 $0xFFFFE000  }
0x26: {  	v2 =	vld.msk [tilespmem:$0x0], $0xff;
	_ =	sdelay $0x4  }
0x27: {  	v3 =	vshll.u32 v2, $0x3  }
0x28: {  	v2 =	vand.u32 $0x7, v2;
	v3 =	vand.u32 $0xFFFFFFC0, v3  }
0x29: {  	v2 =	vor.u32 v2, v3  }
0x2a: {  	v2 =	vperm.xlane v2, v0;
	_ =	sdelay $0x1  }
0x2b: {  	v2 =	vadd.s32 v1, v2;
	_ =	sdelay $0x3  }
0x2c: {  	s18 =	simm.s32 $0x2080  }
0x2d: {  	[tilespmem:s18], [sflag:$0x1] =	stream.indirect_vreg.gather [hbm4b:s2+s0], $0x80, v2, vm0, $0xb8;
	[tilespmem:$0x8080] =	vst v63  }
0x2e: {  	s19 =	simm.s32 $0x2880  }
0x2f: {  	[tilespmem:s19], [sflag:$0x1] =	stream.indirect_vreg.gather [hbm4b:s8+s0], $0x80, v2, vm0, $0xb8;
	[tilespmem:$0x8080] =	vst v63  }
0x30: {  	s21 =	simm.s32 $0x3080  }
0x31: {  	[tilespmem:s21], [sflag:$0x1] =	stream.indirect_vreg.gather [hbm4b:s9+s0], $0x80, v2, vm0, $0xb8;
	[tilespmem:$0x8080] =	vst v63  }
0x32: {  	s22 =	simm.s32 $0x3880  }
0x33: {  	[tilespmem:s22], [sflag:$0x1] =	stream.indirect_vreg.gather [hbm4b:s10+s0], $0x80, v2, vm0, $0xb8;
	[tilespmem:$0x8080] =	vst v63  }
0x34: {  	_ =	swait.ge [sflag:s20], $0x2000  }
0x35: {  	[sflag:s20] =	ssyncset.done $0x0  }
0x36: {  	s23 =	simm.s32 $0x4080;
	[sflag:s20] =	ssyncadd.s32 $0xFFFFE000  }
0x37: {  	[tilespmem:s23], [sflag:$0x2] =	stream.linear.gather [hbm4b:s11+s0], $0x2000, $0x38;
	[tilespmem:$0x8080] =	vst v63  }
0x38: {  	_ =	swait.ge [sflag:s15], $0x2000  }
0x39: {  	s29 =	sand.u32 $0x70, s0;
	s30 =	sand.u32 $0x1C00, s0;
	[sflag:s15] =	ssyncset.done $0x0  }
0x3a: {  	s18 =	sor.u32 s29, s30;
	[sflag:s15] =	ssyncadd.s32 $0xFFFFE000  }
0x3b: {  	v2 =	vld [tilespmem:s18+$0x2080];
	_ =	sdelay $0x4  }
0x3c: {  	v2 =	vmul.f32 $1.442695020e+00, v2  }
0x3d: {  	s24 =	simm.s32 $0x10;
	s25 =	simm.s32 $0x80  }
0x3e: {  	s3 =	sand.u32 $0x1C00, s25;
	s0 =	sand.u32 $0x70, s24;
	(erf) = vpow2.f32 v2  }
0x3f: {  	s22 =	sor.u32 s0, s3  }
0x40: {  	v2 =	vld [tilespmem:s22+$0x2080]  }
0x41: {  	s16 =	simm.s32 $0x20;
	s17 =	simm.s32 $0x100  }
0x42: {  	s16 =	sand.u32 $0x70, s16;
	s31 =	sand.u32 $0x1C00, s17  }
0x43: {  	s19 =	sor.u32 s16, s31  }
0x44: {  	v4 =	vld [tilespmem:s19+$0x2080]  }
0x45: {  	v6 =	vmul.f32 $1.442695020e+00, v2  }
0x46: {  	v3 =	vld [tilespmem:s18+$0x4080]  }
0x47: {  	v2 =	vpop (erf);
	(erf) = vpow2.f32 v6  }
0x48: {  	s26 =	simm.s32 $0x30;
	s23 =	simm.s32 $0x180;
	v5 =	vld [tilespmem:s18+$0x80]  }
0x49: {  	s17 =	sand.u32 $0x70, s26;
	s21 =	sand.u32 $0x1C00, s23;
	v7 =	vmul.f32 $1.442695020e+00, v4  }
0x4a: {  	s21 =	sor.u32 s17, s21  }
0x4b: {  	v4 =	vld [tilespmem:s21+$0x2080];
	v3 =	vmul.f32 v2, v3;
	(erf) = vpow2.f32 v7  }
0x4c: {  	v2 =	vld [tilespmem:s22+$0x4080]  }
0x4d: {  	s24 =	simm.s32 $0x40;
	v5 =	vadd.f32 v3, v5;
	v3 =	vld [tilespmem:s22+$0x80]  }
.LBB2_3:
0x4e: {  	s25 =	sand.u32 $0x70, s24  }
0x4f: {  	s23 =	sadd.s32 $0x80, s23;
	[tilespmem:s18+$0x6080] =	vst v5;
	s18 =	smov.u32 s22;
	p0 =	sne.s32 s24, $0x3F0  }
.Ltmp1:
0x50: {  	s24 =	sadd.s32 $0x10, s24;
	s26 =	sand.u32 $0x1C00, s23;
	v5 =	vpop (erf);
	(pc) =	sbr.rel @p0 .LBB2_3-.Ltmp1, $4  }
0x51: {  	s22 =	smov.u32 s19;
	v6 =	vmul.f32 $1.442695020e+00, v4;
	v5 =	vmul.f32 v5, v2;
	v2 =	vld [tilespmem:s19+$0x4080];
	s19 =	smov.u32 s21;
	s21 =	sor.u32 s25, s26  }
0x52: {  	v4 =	vld [tilespmem:s21+$0x2080]  }
0x53: {  	(erf) = vpow2.f32 v6;
	v5 =	vadd.f32 v5, v3  }
0x54: {  	v3 =	vld [tilespmem:s22+$0x80]  }
0x55: {  	_ =	sdelay $0x1  }
0x56: {  	v4 =	vmul.f32 $1.442695020e+00, v4  }
0x57: {  	v6 =	vpop (erf)  }
0x58: {  	v2 =	vmul.f32 v6, v2;
	(erf) = vpow2.f32 v4;
	_ =	sdelay $0x1  }
0x59: {  	[tilespmem:s18+$0x6080] =	vst v5;
	v2 =	vadd.f32 v2, v3  }
0x5a: {  	v4 =	vld [tilespmem:s19+$0x4080]  }
0x5b: {  	v3 =	vld [tilespmem:s19+$0x80];
	[tilespmem:s22+$0x6080] =	vst v2  }
0x5c: {  	v2 =	vld [tilespmem:s21+$0x4080];
	_ =	sdelay $0x1  }
0x5d: {  	v5 =	vld [tilespmem:s21+$0x80]  }
0x5e: {  	v6 =	vpop (erf)  }
0x5f: {  	v4 =	vmul.f32 v6, v4;
	v6 =	vpop (erf)  }
0x60: {  	v2 =	vmul.f32 v6, v2  }
0x61: {  	v3 =	vadd.f32 v4, v3  }
0x62: {  	v2 =	vadd.f32 v2, v5  }
0x63: {  	[tilespmem:s19+$0x6080] =	vst v3  }
0x64: {  	s19 =	sor.u32 s30, s29;
	[tilespmem:s21+$0x6080] =	vst v2  }
0x65: {  	v2 =	vld [tilespmem:s19+$0x2100];
	_ =	sdelay $0x4  }
0x66: {  	v2 =	vmul.f32 $1.442695020e+00, v2  }
0x67: {  	s18 =	sor.u32 s3, s0  }
0x68: {  	(erf) = vpow2.f32 v2;
	v2 =	vld [tilespmem:s18+$0x2100];
	_ =	sdelay $0x2  }
0x69: {  	s0 =	sor.u32 s31, s16  }
0x6a: {  	v4 =	vld [tilespmem:s0+$0x2100]  }
0x6b: {  	v6 =	vmul.f32 $1.442695020e+00, v2  }
0x6c: {  	v3 =	vld [tilespmem:s19+$0x4100]  }
0x6d: {  	(erf) = vpow2.f32 v6  }
0x6e: {  	s16 =	simm.s32 $0x180;
	v5 =	vld [tilespmem:s19+$0x100]  }
0x6f: {  	s31 =	sand.u32 $0x1C00, s16;
	v7 =	vmul.f32 $1.442695020e+00, v4  }
0x70: {  	s3 =	sor.u32 s31, s17;
	v2 =	vpop (erf)  }
0x71: {  	v4 =	vld [tilespmem:s3+$0x2100];
	(erf) = vpow2.f32 v7;
	v3 =	vmul.f32 v2, v3  }
0x72: {  	v2 =	vld [tilespmem:s18+$0x4100]  }
0x73: {  	v5 =	vadd.f32 v3, v5  }
0x74: {  	s17 =	simm.s32 $0x40;
	v3 =	vld [tilespmem:s18+$0x100]  }
.LBB2_5:
0x75: {  	s21 =	sand.u32 $0x70, s17;
	s16 =	sadd.s32 $0x80, s16;
	[tilespmem:s19+$0x6100] =	vst v5;
	p0 =	sne.s32 s17, $0x3F0  }
.Ltmp2:
0x76: {  	s17 =	sadd.s32 $0x10, s17;
	s19 =	sand.u32 $0x1C00, s16;
	v5 =	vpop (erf);
	(pc) =	sbr.rel @p0 .LBB2_5-.Ltmp2, $4  }
0x77: {  	s21 =	sor.u32 s19, s21;
	v6 =	vmul.f32 $1.442695020e+00, v4;
	v5 =	vmul.f32 v5, v2;
	v2 =	vld [tilespmem:s0+$0x4100];
	s19 =	smov.u32 s18;
	s18 =	smov.u32 s0  }
0x78: {  	s0 =	smov.u32 s3;
	v4 =	vld [tilespmem:s21+$0x2100];
	s3 =	smov.u32 s21  }
0x79: {  	(erf) = vpow2.f32 v6;
	v5 =	vadd.f32 v5, v3  }
0x7a: {  	v3 =	vld [tilespmem:s18+$0x100]  }
0x7b: {  	_ =	sdelay $0x1  }
0x7c: {  	v4 =	vmul.f32 $1.442695020e+00, v4  }
0x7d: {  	v6 =	vpop (erf)  }
0x7e: {  	v2 =	vmul.f32 v6, v2;
	(erf) = vpow2.f32 v4;
	_ =	sdelay $0x1  }
0x7f: {  	[tilespmem:s19+$0x6100] =	vst v5;
	v2 =	vadd.f32 v2, v3  }
0x80: {  	v4 =	vld [tilespmem:s0+$0x4100]  }
0x81: {  	v3 =	vld [tilespmem:s0+$0x100];
	[tilespmem:s18+$0x6100] =	vst v2  }
0x82: {  	v2 =	vld [tilespmem:s3+$0x4100];
	_ =	sdelay $0x1  }
0x83: {  	v5 =	vld [tilespmem:s3+$0x100]  }
0x84: {  	v6 =	vpop (erf)  }
0x85: {  	v4 =	vmul.f32 v6, v4;
	v6 =	vpop (erf)  }
0x86: {  	v2 =	vmul.f32 v6, v2  }
0x87: {  	v3 =	vadd.f32 v4, v3  }
0x88: {  	s16 =	simm.s32 $0x0;
	v2 =	vadd.f32 v2, v5  }
0x89: {  	s18 =	sand.u32 $0x70, s16;
	s16 =	sand.u32 $0x1C00, s16;
	[tilespmem:s0+$0x6100] =	vst v3  }
0x8a: {  	s31 =	sor.u32 s16, s18;
	[tilespmem:s3+$0x6100] =	vst v2  }
0x8b: {  	v2 =	vld [tilespmem:s31+$0x2180];
	_ =	sdelay $0x3  }
0x8c: {  	s19 =	simm.s32 $0x10;
	s21 =	simm.s32 $0x80  }
0x8d: {  	s0 =	sand.u32 $0x70, s19;
	s3 =	sand.u32 $0x1C00, s21;
	v2 =	vmul.f32 $1.442695020e+00, v2  }
0x8e: {  	s30 =	sor.u32 s3, s0  }
0x8f: {  	(erf) = vpow2.f32 v2;
	v2 =	vld [tilespmem:s30+$0x2180]  }
0x90: {  	s22 =	simm.s32 $0x20;
	s23 =	simm.s32 $0x100  }
0x91: {  	s24 =	sand.u32 $0x70, s22;
	s0 =	sand.u32 $0x1C00, s23  }
0x92: {  	s29 =	sor.u32 s0, s24  }
0x93: {  	v4 =	vld [tilespmem:s29+$0x2180]  }
0x94: {  	v6 =	vmul.f32 $1.442695020e+00, v2  }
0x95: {  	v3 =	vld [tilespmem:s31+$0x4180]  }
0x96: {  	(erf) = vpow2.f32 v6  }
0x97: {  	s25 =	simm.s32 $0x30;
	s17 =	simm.s32 $0x180;
	v5 =	vld [tilespmem:s31+$0x180]  }
0x98: {  	s26 =	sand.u32 $0x1C00, s17;
	s0 =	sand.u32 $0x70, s25;
	v7 =	vmul.f32 $1.442695020e+00, v4  }
0x99: {  	s3 =	sor.u32 s26, s0;
	v2 =	vpop (erf)  }
0x9a: {  	v4 =	vld [tilespmem:s3+$0x2180];
	(erf) = vpow2.f32 v7;
	v3 =	vmul.f32 v2, v3  }
0x9b: {  	s18 =	smov.u32 s31;
	v2 =	vld [tilespmem:s30+$0x4180]  }
0x9c: {  	s19 =	simm.s32 $0x40;
	s21 =	smov.u32 s30;
	s16 =	smov.u32 s29;
	v5 =	vadd.f32 v3, v5;
	v3 =	vld [tilespmem:s30+$0x180]  }
.LBB2_7:
0x9d: {  	s22 =	sand.u32 $0x70, s19  }
0x9e: {  	s17 =	sadd.s32 $0x80, s17;
	[tilespmem:s18+$0x6180] =	vst v5;
	s18 =	smov.u32 s21;
	p0 =	sne.s32 s19, $0x3F0  }
.Ltmp3:
0x9f: {  	s19 =	sadd.s32 $0x10, s19;
	s23 =	sand.u32 $0x1C00, s17;
	v5 =	vpop (erf);
	(pc) =	sbr.rel @p0 .LBB2_7-.Ltmp3, $4  }
0xa0: {  	s21 =	smov.u32 s16;
	v6 =	vmul.f32 $1.442695020e+00, v4;
	v5 =	vmul.f32 v5, v2;
	v2 =	vld [tilespmem:s16+$0x4180];
	s16 =	smov.u32 s3;
	s3 =	sor.u32 s23, s22  }
0xa1: {  	v4 =	vld [tilespmem:s3+$0x2180]  }
0xa2: {  	(erf) = vpow2.f32 v6;
	v5 =	vadd.f32 v5, v3  }
0xa3: {  	v3 =	vld [tilespmem:s21+$0x180]  }
0xa4: {  	_ =	sdelay $0x1  }
0xa5: {  	v4 =	vmul.f32 $1.442695020e+00, v4  }
0xa6: {  	v6 =	vpop (erf)  }
0xa7: {  	v2 =	vmul.f32 v6, v2;
	(erf) = vpow2.f32 v4;
	_ =	sdelay $0x1  }
0xa8: {  	[tilespmem:s18+$0x6180] =	vst v5;
	v2 =	vadd.f32 v2, v3  }
0xa9: {  	v4 =	vld [tilespmem:s16+$0x4180]  }
0xaa: {  	v3 =	vld [tilespmem:s16+$0x180];
	[tilespmem:s21+$0x6180] =	vst v2  }
0xab: {  	v2 =	vld [tilespmem:s3+$0x4180];
	_ =	sdelay $0x1  }
0xac: {  	v5 =	vld [tilespmem:s3+$0x180]  }
0xad: {  	v6 =	vpop (erf)  }
0xae: {  	v4 =	vmul.f32 v6, v4;
	v6 =	vpop (erf)  }
0xaf: {  	v2 =	vmul.f32 v6, v2  }
0xb0: {  	v3 =	vadd.f32 v4, v3  }
0xb1: {  	v2 =	vadd.f32 v2, v5  }
0xb2: {  	[tilespmem:s16+$0x6180] =	vst v3  }
0xb3: {  	[tilespmem:s3+$0x6180] =	vst v2  }
0xb4: {  	v2 =	vld [tilespmem:s31+$0x2200];
	_ =	sdelay $0x4  }
0xb5: {  	v2 =	vmul.f32 $1.442695020e+00, v2;
	_ =	sdelay $0x1  }
0xb6: {  	(erf) = vpow2.f32 v2;
	v2 =	vld [tilespmem:s30+$0x2200];
	_ =	sdelay $0x3  }
0xb7: {  	v4 =	vld [tilespmem:s29+$0x2200]  }
0xb8: {  	v6 =	vmul.f32 $1.442695020e+00, v2  }
0xb9: {  	v3 =	vld [tilespmem:s31+$0x4200]  }
0xba: {  	(erf) = vpow2.f32 v6  }
0xbb: {  	s3 =	simm.s32 $0x180;
	v5 =	vld [tilespmem:s31+$0x200]  }
0xbc: {  	s26 =	sand.u32 $0x1C00, s3;
	v7 =	vmul.f32 $1.442695020e+00, v4  }
0xbd: {  	s0 =	sor.u32 s26, s0;
	v2 =	vpop (erf)  }
0xbe: {  	v4 =	vld [tilespmem:s0+$0x2200];
	(erf) = vpow2.f32 v7;
	v3 =	vmul.f32 v2, v3  }
0xbf: {  	v2 =	vld [tilespmem:s30+$0x4200]  }
0xc0: {  	v5 =	vadd.f32 v3, v5  }
0xc1: {  	s16 =	simm.s32 $0x40;
	v3 =	vld [tilespmem:s30+$0x200]  }
.LBB2_9:
0xc2: {  	s17 =	sand.u32 $0x70, s16;
	s3 =	sadd.s32 $0x80, s3;
	[tilespmem:s31+$0x6200] =	vst v5;
	p0 =	sne.s32 s16, $0x3F0  }
.Ltmp4:
0xc3: {  	s16 =	sadd.s32 $0x10, s16;
	s18 =	sand.u32 $0x1C00, s3;
	v5 =	vpop (erf);
	(pc) =	sbr.rel @p0 .LBB2_9-.Ltmp4, $4  }
0xc4: {  	s31 =	smov.u32 s30;
	s30 =	smov.u32 s29;
	s17 =	sor.u32 s18, s17;
	v6 =	vmul.f32 $1.442695020e+00, v4;
	v5 =	vmul.f32 v5, v2;
	v2 =	vld [tilespmem:s29+$0x4200]  }
0xc5: {  	s29 =	smov.u32 s0;
	v4 =	vld [tilespmem:s17+$0x2200];
	s0 =	smov.u32 s17  }
0xc6: {  	(erf) = vpow2.f32 v6;
	v5 =	vadd.f32 v5, v3  }
0xc7: {  	v3 =	vld [tilespmem:s30+$0x200]  }
0xc8: {  	_ =	sdelay $0x1  }
0xc9: {  	v4 =	vmul.f32 $1.442695020e+00, v4  }
0xca: {  	v6 =	vpop (erf)  }
0xcb: {  	v2 =	vmul.f32 v6, v2;
	(erf) = vpow2.f32 v4;
	_ =	sdelay $0x1  }
0xcc: {  	[tilespmem:s31+$0x6200] =	vst v5;
	v2 =	vadd.f32 v2, v3  }
0xcd: {  	v4 =	vld [tilespmem:s29+$0x4200]  }
0xce: {  	v3 =	vld [tilespmem:s29+$0x200];
	[tilespmem:s30+$0x6200] =	vst v2  }
0xcf: {  	v2 =	vld [tilespmem:s0+$0x4200];
	_ =	sdelay $0x1  }
0xd0: {  	v5 =	vld [tilespmem:s0+$0x200]  }
0xd1: {  	v6 =	vpop (erf)  }
0xd2: {  	v4 =	vmul.f32 v6, v4;
	v6 =	vpop (erf)  }
0xd3: {  	v2 =	vmul.f32 v6, v2  }
0xd4: {  	v3 =	vadd.f32 v4, v3  }
0xd5: {  	s3 =	simm.s32 $0x0;
	v2 =	vadd.f32 v2, v5  }
0xd6: {  	s16 =	sand.u32 $0x70, s3;
	s3 =	sand.u32 $0x1C00, s3;
	[tilespmem:s29+$0x6200] =	vst v3  }
0xd7: {  	s31 =	sor.u32 s3, s16;
	[tilespmem:s0+$0x6200] =	vst v2  }
0xd8: {  	v2 =	vld [tilespmem:s31+$0x2280];
	_ =	sdelay $0x3  }
0xd9: {  	s19 =	simm.s32 $0x10;
	s21 =	simm.s32 $0x80  }
0xda: {  	s3 =	sand.u32 $0x1C00, s21;
	s0 =	sand.u32 $0x70, s19;
	v2 =	vmul.f32 $1.442695020e+00, v2  }
0xdb: {  	s30 =	sor.u32 s3, s0  }
0xdc: {  	(erf) = vpow2.f32 v2;
	v2 =	vld [tilespmem:s30+$0x2280]  }
0xdd: {  	s22 =	simm.s32 $0x20;
	s23 =	simm.s32 $0x100  }
0xde: {  	s24 =	sand.u32 $0x70, s22;
	s0 =	sand.u32 $0x1C00, s23  }
0xdf: {  	s29 =	sor.u32 s0, s24  }
0xe0: {  	v4 =	vld [tilespmem:s29+$0x2280]  }
0xe1: {  	v6 =	vmul.f32 $1.442695020e+00, v2  }
0xe2: {  	v3 =	vld [tilespmem:s31+$0x4280]  }
0xe3: {  	(erf) = vpow2.f32 v6  }
0xe4: {  	s25 =	simm.s32 $0x30;
	s17 =	simm.s32 $0x180;
	v5 =	vld [tilespmem:s31+$0x280]  }
0xe5: {  	s26 =	sand.u32 $0x1C00, s17;
	s0 =	sand.u32 $0x70, s25;
	v7 =	vmul.f32 $1.442695020e+00, v4  }
0xe6: {  	s3 =	sor.u32 s26, s0;
	v2 =	vpop (erf)  }
0xe7: {  	v4 =	vld [tilespmem:s3+$0x2280];
	(erf) = vpow2.f32 v7;
	v3 =	vmul.f32 v2, v3  }
0xe8: {  	s18 =	smov.u32 s31;
	v2 =	vld [tilespmem:s30+$0x4280]  }
0xe9: {  	s19 =	simm.s32 $0x40;
	s21 =	smov.u32 s30;
	s16 =	smov.u32 s29;
	v5 =	vadd.f32 v3, v5;
	v3 =	vld [tilespmem:s30+$0x280]  }
.LBB2_11:
0xea: {  	s22 =	sand.u32 $0x70, s19  }
0xeb: {  	s17 =	sadd.s32 $0x80, s17;
	[tilespmem:s18+$0x6280] =	vst v5;
	s18 =	smov.u32 s21;
	p0 =	sne.s32 s19, $0x3F0  }
.Ltmp5:
0xec: {  	s19 =	sadd.s32 $0x10, s19;
	s23 =	sand.u32 $0x1C00, s17;
	v5 =	vpop (erf);
	(pc) =	sbr.rel @p0 .LBB2_11-.Ltmp5, $4  }
0xed: {  	s21 =	smov.u32 s16;
	v6 =	vmul.f32 $1.442695020e+00, v4;
	v5 =	vmul.f32 v5, v2;
	v2 =	vld [tilespmem:s16+$0x4280];
	s16 =	smov.u32 s3;
	s3 =	sor.u32 s23, s22  }
0xee: {  	v4 =	vld [tilespmem:s3+$0x2280]  }
0xef: {  	(erf) = vpow2.f32 v6;
	v5 =	vadd.f32 v5, v3  }
0xf0: {  	v3 =	vld [tilespmem:s21+$0x280]  }
0xf1: {  	_ =	sdelay $0x1  }
0xf2: {  	v4 =	vmul.f32 $1.442695020e+00, v4  }
0xf3: {  	v6 =	vpop (erf)  }
0xf4: {  	v2 =	vmul.f32 v6, v2;
	(erf) = vpow2.f32 v4;
	_ =	sdelay $0x1  }
0xf5: {  	[tilespmem:s18+$0x6280] =	vst v5;
	v2 =	vadd.f32 v2, v3  }
0xf6: {  	v4 =	vld [tilespmem:s16+$0x4280]  }
0xf7: {  	v3 =	vld [tilespmem:s16+$0x280];
	[tilespmem:s21+$0x6280] =	vst v2  }
0xf8: {  	v2 =	vld [tilespmem:s3+$0x4280];
	_ =	sdelay $0x1  }
0xf9: {  	v5 =	vld [tilespmem:s3+$0x280]  }
0xfa: {  	v6 =	vpop (erf)  }
0xfb: {  	v4 =	vmul.f32 v6, v4;
	v6 =	vpop (erf)  }
0xfc: {  	v2 =	vmul.f32 v6, v2  }
0xfd: {  	v3 =	vadd.f32 v4, v3  }
0xfe: {  	v2 =	vadd.f32 v2, v5  }
0xff: {  	[tilespmem:s16+$0x6280] =	vst v3  }
0x100: {  	[tilespmem:s3+$0x6280] =	vst v2  }
0x101: {  	v2 =	vld [tilespmem:s31+$0x2300];
	_ =	sdelay $0x4  }
0x102: {  	v2 =	vmul.f32 $1.442695020e+00, v2;
	_ =	sdelay $0x1  }
0x103: {  	(erf) = vpow2.f32 v2;
	v2 =	vld [tilespmem:s30+$0x2300];
	_ =	sdelay $0x3  }
0x104: {  	v4 =	vld [tilespmem:s29+$0x2300]  }
0x105: {  	v6 =	vmul.f32 $1.442695020e+00, v2  }
0x106: {  	v3 =	vld [tilespmem:s31+$0x4300]  }
0x107: {  	(erf) = vpow2.f32 v6  }
0x108: {  	s3 =	simm.s32 $0x180;
	v5 =	vld [tilespmem:s31+$0x300]  }
0x109: {  	s26 =	sand.u32 $0x1C00, s3;
	v7 =	vmul.f32 $1.442695020e+00, v4  }
0x10a: {  	s0 =	sor.u32 s26, s0;
	v2 =	vpop (erf)  }
0x10b: {  	v4 =	vld [tilespmem:s0+$0x2300];
	(erf) = vpow2.f32 v7;
	v3 =	vmul.f32 v2, v3  }
0x10c: {  	v2 =	vld [tilespmem:s30+$0x4300]  }
0x10d: {  	v5 =	vadd.f32 v3, v5  }
0x10e: {  	s16 =	simm.s32 $0x40;
	v3 =	vld [tilespmem:s30+$0x300]  }
.LBB2_13:
0x10f: {  	s17 =	sand.u32 $0x70, s16;
	s3 =	sadd.s32 $0x80, s3;
	[tilespmem:s31+$0x6300] =	vst v5;
	p0 =	sne.s32 s16, $0x3F0  }
.Ltmp6:
0x110: {  	s16 =	sadd.s32 $0x10, s16;
	s18 =	sand.u32 $0x1C00, s3;
	v5 =	vpop (erf);
	(pc) =	sbr.rel @p0 .LBB2_13-.Ltmp6, $4  }
0x111: {  	s31 =	smov.u32 s30;
	s30 =	smov.u32 s29;
	s17 =	sor.u32 s18, s17;
	v6 =	vmul.f32 $1.442695020e+00, v4;
	v5 =	vmul.f32 v5, v2;
	v2 =	vld [tilespmem:s29+$0x4300]  }
0x112: {  	s29 =	smov.u32 s0;
	v4 =	vld [tilespmem:s17+$0x2300];
	s0 =	smov.u32 s17  }
0x113: {  	(erf) = vpow2.f32 v6;
	v5 =	vadd.f32 v5, v3  }
0x114: {  	v3 =	vld [tilespmem:s30+$0x300]  }
0x115: {  	_ =	sdelay $0x1  }
0x116: {  	v4 =	vmul.f32 $1.442695020e+00, v4  }
0x117: {  	v6 =	vpop (erf)  }
0x118: {  	v2 =	vmul.f32 v6, v2;
	(erf) = vpow2.f32 v4;
	_ =	sdelay $0x1  }
0x119: {  	[tilespmem:s31+$0x6300] =	vst v5;
	v2 =	vadd.f32 v2, v3  }
0x11a: {  	v4 =	vld [tilespmem:s29+$0x4300]  }
0x11b: {  	v3 =	vld [tilespmem:s29+$0x300];
	[tilespmem:s30+$0x6300] =	vst v2  }
0x11c: {  	v2 =	vld [tilespmem:s0+$0x4300];
	_ =	sdelay $0x1  }
0x11d: {  	v5 =	vld [tilespmem:s0+$0x300]  }
0x11e: {  	v6 =	vpop (erf)  }
0x11f: {  	v4 =	vmul.f32 v6, v4;
	v6 =	vpop (erf)  }
0x120: {  	v2 =	vmul.f32 v6, v2  }
0x121: {  	v3 =	vadd.f32 v4, v3  }
0x122: {  	s30 =	simm.s32 $0x0;
	v2 =	vadd.f32 v2, v5  }
0x123: {  	s3 =	sand.u32 $0x70, s30;
	s16 =	sand.u32 $0x1C00, s30;
	[tilespmem:s29+$0x6300] =	vst v3  }
0x124: {  	s17 =	sor.u32 s16, s3;
	[tilespmem:s0+$0x6300] =	vst v2  }
0x125: {  	v2 =	vld [tilespmem:s17+$0x2380];
	_ =	sdelay $0x3  }
0x126: {  	s31 =	simm.s32 $0x10;
	s3 =	simm.s32 $0x80  }
0x127: {  	s24 =	sand.u32 $0x70, s31;
	s18 =	sand.u32 $0x1C00, s3;
	v2 =	vmul.f32 $1.442695020e+00, v2  }
0x128: {  	s21 =	sor.u32 s18, s24  }
0x129: {  	(erf) = vpow2.f32 v2;
	v2 =	vld [tilespmem:s21+$0x2380]  }
0x12a: {  	s16 =	simm.s32 $0x100;
	s0 =	simm.s32 $0x20  }
0x12b: {  	s19 =	sand.u32 $0x1C00, s16;
	s25 =	sand.u32 $0x70, s0  }
0x12c: {  	s18 =	sor.u32 s19, s25  }
0x12d: {  	v4 =	vld [tilespmem:s18+$0x2380]  }
0x12e: {  	v6 =	vmul.f32 $1.442695020e+00, v2  }
0x12f: {  	v3 =	vld [tilespmem:s17+$0x4380]  }
0x130: {  	(erf) = vpow2.f32 v6  }
0x131: {  	s22 =	simm.s32 $0x180;
	s29 =	simm.s32 $0x30;
	v5 =	vld [tilespmem:s17+$0x380]  }
0x132: {  	s23 =	sand.u32 $0x1C00, s22;
	s26 =	sand.u32 $0x70, s29;
	v7 =	vmul.f32 $1.442695020e+00, v4  }
0x133: {  	s19 =	sor.u32 s23, s26;
	v2 =	vpop (erf)  }
0x134: {  	v4 =	vld [tilespmem:s19+$0x2380];
	(erf) = vpow2.f32 v7;
	v3 =	vmul.f32 v2, v3  }
0x135: {  	v2 =	vld [tilespmem:s21+$0x4380]  }
0x136: {  	s23 =	simm.s32 $0x40;
	v5 =	vadd.f32 v3, v5;
	v3 =	vld [tilespmem:s21+$0x380]  }
.LBB2_15:
0x137: {  	s24 =	sand.u32 $0x70, s23  }
0x138: {  	s22 =	sadd.s32 $0x80, s22;
	[tilespmem:s17+$0x6380] =	vst v5;
	s17 =	smov.u32 s21;
	p0 =	sne.s32 s23, $0x3F0  }
.Ltmp7:
0x139: {  	s23 =	sadd.s32 $0x10, s23;
	s25 =	sand.u32 $0x1C00, s22;
	v5 =	vpop (erf);
	(pc) =	sbr.rel @p0 .LBB2_15-.Ltmp7, $4  }
0x13a: {  	s21 =	smov.u32 s18;
	v6 =	vmul.f32 $1.442695020e+00, v4;
	v5 =	vmul.f32 v5, v2;
	v2 =	vld [tilespmem:s18+$0x4380];
	s18 =	smov.u32 s19;
	s19 =	sor.u32 s25, s24  }
0x13b: {  	v4 =	vld [tilespmem:s19+$0x2380]  }
0x13c: {  	(erf) = vpow2.f32 v6;
	v5 =	vadd.f32 v5, v3  }
0x13d: {  	v3 =	vld [tilespmem:s21+$0x380]  }
0x13e: {  	_ =	sdelay $0x1  }
0x13f: {  	v4 =	vmul.f32 $1.442695020e+00, v4  }
0x140: {  	v6 =	vpop (erf)  }
0x141: {  	v2 =	vmul.f32 v6, v2;
	(erf) = vpow2.f32 v4;
	_ =	sdelay $0x1  }
0x142: {  	[tilespmem:s17+$0x6380] =	vst v5;
	v2 =	vadd.f32 v2, v3  }
0x143: {  	v4 =	vld [tilespmem:s18+$0x4380]  }
0x144: {  	v3 =	vld [tilespmem:s18+$0x380];
	[tilespmem:s21+$0x6380] =	vst v2  }
0x145: {  	v2 =	vld [tilespmem:s19+$0x4380];
	_ =	sdelay $0x1  }
0x146: {  	v5 =	vld [tilespmem:s19+$0x380]  }
0x147: {  	v6 =	vpop (erf)  }
0x148: {  	v4 =	vmul.f32 v6, v4;
	v6 =	vpop (erf)  }
0x149: {  	v2 =	vmul.f32 v6, v2  }
0x14a: {  	v3 =	vadd.f32 v4, v3  }
0x14b: {  	v2 =	vadd.f32 v2, v5  }
0x14c: {  	s30 =	sor.u32 s30, s30;
	[tilespmem:s18+$0x6380] =	vst v3  }
0x14d: {  	s17 =	sor.u32 $0x380, s30;
	[tilespmem:s19+$0x6380] =	vst v2  }
0x14e: {  	v2 =	vld [tilespmem:s17+$0x2080];
	_ =	sdelay $0x2  }
0x14f: {  	s3 =	sor.u32 s3, s31  }
0x150: {  	s3 =	sor.u32 $0x380, s3  }
0x151: {  	v3 =	vld [tilespmem:s3+$0x2080];
	v4 =	vmul.f32 $1.442695020e+00, v2;
	_ =	sdelay $0x1  }
0x152: {  	(erf) = vpow2.f32 v4;
	_ =	sdelay $0x2  }
0x153: {  	s0 =	sor.u32 s16, s0;
	v3 =	vmul.f32 $1.442695020e+00, v3  }
0x154: {  	s0 =	sor.u32 $0x380, s0;
	v2 =	vld [tilespmem:s17+$0x4080]  }
0x155: {  	v4 =	vld [tilespmem:s0+$0x2080];
	(erf) = vpow2.f32 v3;
	_ =	sdelay $0x1  }
0x156: {  	v3 =	vld [tilespmem:s17+$0x80]  }
0x157: {  	s16 =	simm.s32 $0x180  }
.LBB2_17:
0x158: {  	s18 =	sor.u32 s16, s29;
	p0 =	sne.s32 s29, $0x3F0;
	s29 =	sadd.s32 $0x10, s29;
	v5 =	vpop (erf)  }
.Ltmp8:
0x159: {  	s19 =	smov.u32 s0;
	v6 =	vmul.f32 $1.442695020e+00, v4;
	v5 =	vmul.f32 v5, v2;
	v2 =	vld [tilespmem:s3+$0x4080];
	s0 =	sor.u32 $0x380, s18;
	(pc) =	sbr.rel @p0 .LBB2_17-.Ltmp8, $4  }
0x15a: {  	v4 =	vld [tilespmem:s0+$0x2080]  }
0x15b: {  	(erf) = vpow2.f32 v6;
	v5 =	vadd.f32 v5, v3  }
0x15c: {  	v3 =	vld [tilespmem:s3+$0x80]  }
0x15d: {  	s16 =	sadd.s32 $0x80, s16;
	[tilespmem:s17+$0x6080] =	vst v5;
	s17 =	smov.u32 s3;
	s3 =	smov.u32 s19  }
0x15e: {  	_ = 	snop  }
0x15f: {  	v4 =	vmul.f32 $1.442695020e+00, v4  }
0x160: {  	v5 =	vpop (erf)  }
0x161: {  	v2 =	vmul.f32 v5, v2;
	(erf) = vpow2.f32 v4;
	_ =	sdelay $0x1  }
0x162: {  	v2 =	vadd.f32 v2, v3  }
0x163: {  	v61 =	vld [tilespmem:s3+$0x4080]  }
0x164: {  	v3 =	vld [tilespmem:s3+$0x80];
	[tilespmem:s17+$0x6080] =	vst v2  }
0x165: {  	v2 =	vld [tilespmem:s0+$0x4080];
	_ =	sdelay $0x1  }
0x166: {  	v62 =	vld [tilespmem:s0+$0x80]  }
0x167: {  	v6 =	vpop (erf)  }
0x168: {  	v4 =	vmul.f32 v6, v61;
	v63 =	vpop (erf)  }
0x169: {  	v2 =	vmul.f32 v63, v2  }
0x16a: {  	v3 =	vadd.f32 v4, v3  }
0x16b: {  	s28 =	sadd.s32 $0x1, s28;
	v2 =	vadd.f32 v2, v62  }
0x16c: {  	p0 =	sne.s32 s28, s14;
	[tilespmem:s3+$0x6080] =	vst v3  }
.Ltmp9:
0x16d: {  	s31 =	simm.s32 $0x6080;
	[tilespmem:s0+$0x6080] =	vst v2;
	(pc) =	sbr.rel @p0 .LBB2_2-.Ltmp9, $4  }
0x16e: {  	[hbm4b:s12+s4] =	stream.linear.scatter [tilespmem:s31], [sflag:$0x2], $0x2000, $0x38;
	[tilespmem:$0x8080] =	vst v63  }
0x16f: {  	_ =	swait.ge [sflag:s15], $0x2000  }
0x170: {  	[sflag:s15] =	ssyncset.done $0x0  }
0x171: {  	[sflag:s15] =	ssyncadd.s32 $0xFFFFE000  }
.LBB2_19:
0x172: {  	_ =	sfence.sel $0x180000  }
0x173: {  	[bflag:$0x0] =	sbarrier.arrive $0xFFFF  }
0x174: {  	_ =	strace $0x90000047  }
0x175: {  	s0 =	stileid.u32;
	[bflag:$0x2] =	sbarrier.arrive $0xFFFF  }
0x176: {  	p0 =	sne.s32 s0, $0x0;
	s0 =	rddreg [dreg:$0x5]  }
0x177: {  	s0 =	sadd.s32 @!p0 $0x100000, s0  }
0x178: {  	[sflag:s0] =	ssyncadd.tile.s32 @!p0 $0x1;
	_ =	shalt  }
.Lfunc_end2:
_tile_overlayer_lowered:
.L_overlay_start_2:
0x179: {  	(tag) =	ssettag $0x2  }
0x17a: {  	s0 =	rddreg [dreg:$0x0];
	s2 =	stileid.u32  }
0x17b: {  	s1 =	rddreg [dreg:$0x1];
	p0 =	sne.s32 s2, $0x0  }
0x17c: {  	s3 =	rddreg [dreg:$0x2];
	[bflag:$0x3] =	sbarrier.arrive $0xFFFF;
	s2 =	simm.s32 @!p0 $0x1C02  }
0x17d: {  	[timem:s3], [sflag:s2] =	dma.local @!p0 [hbm:s0], s1  }
0x17e: {  	s0 =	simm.s32 @!p0 $0x2  }
0x17f: {  	_ =	swait.ge @!p0 [sflag:s0], s1  }
0x180: {  	s1 =	ssub.s32 @!p0 $0x0, s1;
	[sflag:s0] =	ssyncset.done @!p0 $0x0  }
0x181: {  	[sflag:s0] =	ssyncadd.s32 @!p0 s1  }
0x182: {  	[bflag:$0x3] =	sbarrier.arrive $0xFFFF  }
0x183: {  	_ =	shalt  }

</sc_bundles>
